<compile_context>
chip_gen: v7x
topology: tpu7x:2x2x1
jax: 0.10.2.dev20260603
libtpu: 0.0.44.dev20260713+nightly
codegen_flags: <defaults>
</compile_context>

<pallas_src>
import functools

import jax
import jax.numpy as jnp
from jax import lax
from jax.experimental import pallas as pl
from jax.experimental.pallas import tpu as pltpu
from jax.experimental.pallas import tpu_sc as plsc

_D = 128
_B = 4096
_V = 100000
_NC, _NS, _L = 2, 16, 16
_NW = _NC * _NS
_BPW = _B // _NW
_CH = 2
_RPC = _BPW // _CH
_GROUPS = _BPW // _L
_GPC = _GROUPS // _CH

_LN2 = 0.6931471805599453
_LN_XMAX = 4.605170185988092


def _ln(x):
  xi = plsc.bitcast(x, jnp.int32)
  e = lax.shift_right_logical(xi, 23) - 127
  m = plsc.bitcast((xi & 0x7FFFFF) | 0x3F800000, jnp.float32)
  big = m > 1.4142135623730951
  m = jnp.where(big, m * 0.5, m)
  e = jnp.where(big, e + 1, e)
  s = (m - 1.0) / (m + 1.0)
  t = s * s
  p = s * (2.0 + t * (2.0 / 3.0 + t * (2.0 / 5.0 + t * (2.0 / 7.0 + t * (2.0 / 9.0)))))
  return e.astype(jnp.float32) * _LN2 + p


@functools.partial(
    pl.kernel,
    out_type=jax.ShapeDtypeStruct((_NW, 5, _L), jnp.float32),
    mesh=plsc.VectorSubcoreMesh(
        core_axis_name="c", subcore_axis_name="s", num_cores=_NC,
        num_subcores=_NS),
    compiler_params=pltpu.CompilerParams(needs_layout_passes=False),
    scratch_types=[
        pltpu.VMEM((_BPW,), jnp.int32),
        pltpu.VMEM((_BPW,), jnp.int32),
        pltpu.VMEM((_BPW,), jnp.int32),
        pltpu.VMEM((_BPW,), jnp.float32),
        pltpu.VMEM((_BPW,), jnp.float32),
        pltpu.VMEM((_BPW,), jnp.float32),
        pltpu.VMEM((_BPW, _D), jnp.float32),
        pltpu.VMEM((_BPW, _D), jnp.float32),
        pltpu.VMEM((5, _L), jnp.float32),
        pltpu.SemaphoreType.DMA,
        pltpu.SemaphoreType.DMA,
        pltpu.SemaphoreType.DMA,
        pltpu.SemaphoreType.DMA,
        pltpu.SemaphoreType.DMA,
        pltpu.SemaphoreType.DMA,
        pltpu.SemaphoreType.DMA,
    ],
)
def _glove_partials(fi_hbm, ci_hbm, cc_hbm, ftab_hbm, ctab_hbm, bias_hbm,
                    out_hbm, idx_f, idx_c, idx_cb, cc_v, fb_v, cb_v, rows_f,
                    rows_c, part_v, sem_if, sem_ic, sem_cc, sem_fb, sem_cb,
                    sem_r0, sem_r1):
  wid = lax.axis_index("s") * _NC + lax.axis_index("c")
  base = wid * _BPW
  sem_r = (sem_r0, sem_r1)

  cp_if = pltpu.async_copy(fi_hbm.at[pl.ds(base, _BPW)], idx_f, sem_if)
  cp_ic = pltpu.async_copy(ci_hbm.at[pl.ds(base, _BPW)], idx_c, sem_ic)
  cp_cc = pltpu.async_copy(cc_hbm.at[pl.ds(base, _BPW)], cc_v, sem_cc)

  cp_if.wait()
  sl0 = pl.ds(0, _RPC)
  cp_f0 = pltpu.async_copy(ftab_hbm.at[idx_f.at[sl0]], rows_f.at[sl0],
                           sem_r[0])
  cp_fb = pltpu.async_copy(bias_hbm.at[idx_f], fb_v, sem_fb)

  cp_ic.wait()
  cp_c0 = pltpu.async_copy(ctab_hbm.at[idx_c.at[sl0]], rows_c.at[sl0],
                           sem_r[0])
  waits = [(cp_f0, cp_c0)]
  for _ch in range(1, _CH):
    _sl = pl.ds(_ch * _RPC, _RPC)
    _cpf = pltpu.async_copy(ftab_hbm.at[idx_f.at[_sl]], rows_f.at[_sl],
                            sem_r[_ch])
    _cpc = pltpu.async_copy(ctab_hbm.at[idx_c.at[_sl]], rows_c.at[_sl],
                            sem_r[_ch])
    waits.append((_cpf, _cpc))

  def mk_cb(k, _):
    ksl = pl.ds(k * _L, _L)
    idx_cb[ksl] = idx_c[ksl] + _V
    return 0

  lax.fori_loop(0, _BPW // _L, mk_cb, 0)
  cp_cb = pltpu.async_copy(bias_hbm.at[idx_cb], cb_v, sem_cb)

  cp_cc.wait()
  cp_fb.wait()
  cp_cb.wait()

  lane = lax.iota(jnp.int32, _L)
  zero = jnp.zeros((_L,), jnp.float32)
  accs = (zero, zero, zero, zero, zero)

  for ch in range(_CH):
    waits[ch][0].wait()
    waits[ch][1].wait()

    def group(g, accs):
      acc1, acc2, acc3, acc4, acc5 = accs
      rows = g * _L + lane

      def dot_step(d, st):
        acc, col = st
        f = plsc.load_gather(rows_f, [rows, col])
        c = plsc.load_gather(rows_c, [rows, col])
        return acc + f * c, (col + 1) & (_D - 1)

      ep, _ = lax.fori_loop(0, _D, dot_step, (zero, lane), unroll=8)

      sl = pl.ds(g * _L, _L)
      cc = cc_v[sl]
      lc = _ln(cc)
      wf = jnp.minimum(jnp.exp(0.75 * (lc - _LN_XMAX)), 1.0)
      a = ep + lc
      b = fb_v[sl] + cb_v[sl]
      return (acc1 + wf * a * a, acc2 + wf * a, acc3 + wf, acc4 + b,
              acc5 + b * b)

    accs = lax.fori_loop(ch * _GPC, (ch + 1) * _GPC, group, accs)

  for k in range(5):
    part_v[k, :] = accs[k]
  pltpu.sync_copy(part_v, out_hbm.at[wid])


def _combine(p_ref, o_ref):
  s1 = jnp.sum(p_ref[:, 0, :])
  s2 = jnp.sum(p_ref[:, 1, :])
  s3 = jnp.sum(p_ref[:, 2, :])
  s4 = jnp.sum(p_ref[:, 3, :])
  s5 = jnp.sum(p_ref[:, 4, :])
  loss = (_B * s1 + 2.0 * s2 * s4 + s3 * s5) / (float(_B) * float(_B))
  o_ref[...] = jnp.broadcast_to(loss, (1, 1))


def kernel(focal_input, context_input, coocurrence_count, focal_table,
           context_table, focal_bias_table, context_bias_table):
  bias_cat = jnp.concatenate(
      [focal_bias_table.reshape(-1), context_bias_table.reshape(-1)])
  parts = _glove_partials(
      focal_input, context_input, coocurrence_count, focal_table,
      context_table, bias_cat)
  out = pl.pallas_call(
      _combine,
      out_shape=jax.ShapeDtypeStruct((1, 1), jnp.float32),
  )(parts)
  return out[0, 0]

# --- scband reference (transcript-rebuilt; emitter-appended) ---
"""Pipeline reference for scband-glo-ve-model-8383776162349 (READ-ONLY COPY).

The authoritative reference and input builder live on the scoring server;
editing this copy changes nothing except your own understanding.
"""

import jax, jax.numpy as jnp
import numpy as np

VOCAB = 100000
D = 128
B = 4096
X_MAX = 100

def setup_inputs(seed: int = 0) -> dict:
    key = jax.random.key(seed)
    k1, k2, k3, k4, k5, k6, k7 = jax.random.split(key, 7)
    focal_input = jax.random.randint(k1, (B,), 0, VOCAB)
    context_input = jax.random.randint(k2, (B,), 0, VOCAB)
    # cooccurrence counts must be strictly positive (log is taken)
    coocurrence_count = jax.random.uniform(k3, (B,), minval=1.0, maxval=100.0, dtype=jnp.float32)
    focal_table = jax.random.normal(k4, (VOCAB, D), dtype=jnp.float32) * 0.02
    context_table = jax.random.normal(k5, (VOCAB, D), dtype=jnp.float32) * 0.02
    focal_bias_table = jax.random.normal(k6, (VOCAB, 1), dtype=jnp.float32) * 0.02
    context_bias_table = jax.random.normal(k7, (VOCAB, 1), dtype=jnp.float32) * 0.02
    return {
        "focal_input": focal_input,
        "context_input": context_input,
        "coocurrence_count": coocurrence_count,
        "focal_table": focal_table,
        "context_table": context_table,
        "focal_bias_table": focal_bias_table,
        "context_bias_table": context_bias_table,
    }

def reference(focal_input, context_input, coocurrence_count, focal_table, context_table, focal_bias_table, context_bias_table):
    x_max = max(X_MAX, 1)
    focal_embed = jnp.take(focal_table, focal_input, axis=0)          # [B, D]
    context_embed = jnp.take(context_table, context_input, axis=0)    # [B, D]
    focal_bias = jnp.take(focal_bias_table, focal_input, axis=0)      # [B, 1]
    context_bias = jnp.take(context_bias_table, context_input, axis=0)# [B, 1]
    weight_factor = jnp.power(coocurrence_count / x_max, 0.75)
    weight_factor = jnp.minimum(weight_factor, 1.0)                   # [B]
    embedding_products = jnp.sum(focal_embed * context_embed, axis=1) # [B]
    log_cooccurrences = jnp.log(coocurrence_count)                    # [B]
    # Faithful to the torch code: [B] + [B,1] broadcasts to [B,B]
    distance_expr = (embedding_products + focal_bias + context_bias + log_cooccurrences) ** 2
    single_losses = weight_factor * distance_expr                     # [B, B]
    mean_loss = jnp.mean(single_losses)
    return mean_loss

if __name__ == "__main__":
    import jax
    _d = setup_inputs()
    print(jax.jit(kernel)(*tuple(_d.values())))

</pallas_src>

<mosaic_0001>
#map = affine_map<(d0, d1) -> (0)>
#map1 = affine_map<(d0, d1) -> (0, 0)>
#map2 = affine_map<(d0, d1) -> (0, 0, 0)>
module attributes {stable_mosaic.version = 14 : i64} {
  func.func @_glove_partials(%arg0: i32, %arg1: i32, %arg2: memref<4096xi32, #tpu.memory_space<hbm>>, %arg3: memref<4096xi32, #tpu.memory_space<hbm>>, %arg4: memref<4096xf32, #tpu.memory_space<hbm>>, %arg5: memref<100000x128xf32, #tpu.memory_space<hbm>>, %arg6: memref<100000x128xf32, #tpu.memory_space<hbm>>, %arg7: memref<200000xf32, #tpu.memory_space<hbm>>, %arg8: memref<32x5x16xf32, #tpu.memory_space<hbm>>, %arg9: memref<128xi32, #tpu.memory_space<vmem>>, %arg10: memref<128xi32, #tpu.memory_space<vmem>>, %arg11: memref<128xi32, #tpu.memory_space<vmem>>, %arg12: memref<128xf32, #tpu.memory_space<vmem>>, %arg13: memref<128xf32, #tpu.memory_space<vmem>>, %arg14: memref<128xf32, #tpu.memory_space<vmem>>, %arg15: memref<128x128xf32, #tpu.memory_space<vmem>>, %arg16: memref<128x128xf32, #tpu.memory_space<vmem>>, %arg17: memref<5x16xf32, #tpu.memory_space<vmem>>, %arg18: memref<!tpu.dma_semaphore, #tpu.memory_space<semaphore_mem>>, %arg19: memref<!tpu.dma_semaphore, #tpu.memory_space<semaphore_mem>>, %arg20: memref<!tpu.dma_semaphore, #tpu.memory_space<semaphore_mem>>, %arg21: memref<!tpu.dma_semaphore, #tpu.memory_space<semaphore_mem>>, %arg22: memref<!tpu.dma_semaphore, #tpu.memory_space<semaphore_mem>>, %arg23: memref<!tpu.dma_semaphore, #tpu.memory_space<semaphore_mem>>, %arg24: memref<!tpu.dma_semaphore, #tpu.memory_space<semaphore_mem>>) attributes {dimension_semantics = [#tpu.dimension_semantics<core_parallel>, #tpu.dimension_semantics<subcore_parallel>], iteration_bounds = array<i64: 2, 16>, scalar_prefetch = 0 : i64, scratch_operands = 16 : i64, tpu.core_type = #tpu.core_type<sc_vector_subcore>, window_params = [{transform_indices = #map}, {transform_indices = #map}, {transform_indices = #map}, {transform_indices = #map1}, {transform_indices = #map1}, {transform_indices = #map}, {transform_indices = #map2}]} {
    %mul3A = arith.constant 2 : i32
    %mul3A_0 = arith.muli %arg1, %mul3A : i32
    %add3A = arith.addi %mul3A_0, %arg0 : i32
    %mul3A_1 = arith.constant 128 : i32
    %mul3A_2 = arith.muli %add3A, %mul3A_1 : i32
    %dma_start3A = tpu.memref_slice %arg2[%mul3A_2] : memref<4096xi32, #tpu.memory_space<hbm>> -> memref<128xi32, #tpu.memory_space<hbm>>
    %dma_start3A_3 = tpu.memref_slice %arg2[%mul3A_2] : memref<4096xi32, #tpu.memory_space<hbm>> -> memref<128xi32, #tpu.memory_space<hbm>>
    tpu.enqueue_dma source(%dma_start3A_3 : memref<128xi32, #tpu.memory_space<hbm>>) target(%arg9 : memref<128xi32, #tpu.memory_space<vmem>>) target_semaphore(%arg18 : memref<!tpu.dma_semaphore, #tpu.memory_space<semaphore_mem>>)
    %dma_start3A_4 = tpu.memref_slice %arg3[%mul3A_2] : memref<4096xi32, #tpu.memory_space<hbm>> -> memref<128xi32, #tpu.memory_space<hbm>>
    %dma_start3A_5 = tpu.memref_slice %arg3[%mul3A_2] : memref<4096xi32, #tpu.memory_space<hbm>> -> memref<128xi32, #tpu.memory_space<hbm>>
    tpu.enqueue_dma source(%dma_start3A_5 : memref<128xi32, #tpu.memory_space<hbm>>) target(%arg10 : memref<128xi32, #tpu.memory_space<vmem>>) target_semaphore(%arg19 : memref<!tpu.dma_semaphore, #tpu.memory_space<semaphore_mem>>)
    %dma_start3A_6 = tpu.memref_slice %arg4[%mul3A_2] : memref<4096xf32, #tpu.memory_space<hbm>> -> memref<128xf32, #tpu.memory_space<hbm>>
    %dma_start3A_7 = tpu.memref_slice %arg4[%mul3A_2] : memref<4096xf32, #tpu.memory_space<hbm>> -> memref<128xf32, #tpu.memory_space<hbm>>
    tpu.enqueue_dma source(%dma_start3A_7 : memref<128xf32, #tpu.memory_space<hbm>>) target(%arg12 : memref<128xf32, #tpu.memory_space<vmem>>) target_semaphore(%arg20 : memref<!tpu.dma_semaphore, #tpu.memory_space<semaphore_mem>>)
    %dma_wait3A = tpu.memref_slice %arg2[%mul3A_2] : memref<4096xi32, #tpu.memory_space<hbm>> -> memref<128xi32, #tpu.memory_space<hbm>>
    %dma_wait3A_8 = tpu.memref_slice %arg2[%mul3A_2] : memref<4096xi32, #tpu.memory_space<hbm>> -> memref<128xi32, #tpu.memory_space<hbm>>
    tpu.wait_dma2 semaphore(%arg18 : memref<!tpu.dma_semaphore, #tpu.memory_space<semaphore_mem>>) src(%dma_wait3A_8 : memref<128xi32, #tpu.memory_space<hbm>>) dst(%arg9 : memref<128xi32, #tpu.memory_space<vmem>>)
    %dma_start3A_9 = arith.constant 0 : i32
    %dma_start3A_10 = arith.constant 0 : i32
    %dma_start3A_11 = tpu.memref_slice %arg15[%dma_start3A_9, %dma_start3A_10] : memref<128x128xf32, #tpu.memory_space<vmem>> -> memref<64x128xf32, #tpu.memory_space<vmem>>
    %dma_start3A_12 = arith.constant 0 : i32
    %dma_start3A_13 = tpu.memref_slice %arg9[%dma_start3A_12] : memref<128xi32, #tpu.memory_space<vmem>> -> memref<64xi32, #tpu.memory_space<vmem>>
    %dma_start3A_14 = arith.constant 0 : i32
    %dma_start3A_15 = arith.constant 0 : i32
    %dma_start3A_16 = tpu.memref_slice %arg5[%dma_start3A_14, %dma_start3A_15] : memref<100000x128xf32, #tpu.memory_space<hbm>> -> memref<100000x128xf32, #tpu.memory_space<hbm>>
    tpu.enqueue_indirect_dma source(%dma_start3A_16 : memref<100000x128xf32, #tpu.memory_space<hbm>>) target(%dma_start3A_11 : memref<64x128xf32, #tpu.memory_space<vmem>>) offsets(%dma_start3A_13 : memref<64xi32, #tpu.memory_space<vmem>>) semaphore(%arg23 : memref<!tpu.dma_semaphore, #tpu.memory_space<semaphore_mem>>)
    %dma_start3A_17 = arith.constant 0 : i32
    %dma_start3A_18 = tpu.memref_slice %arg7[%dma_start3A_17] : memref<200000xf32, #tpu.memory_space<hbm>> -> memref<200000xf32, #tpu.memory_space<hbm>>
    tpu.enqueue_indirect_dma source(%dma_start3A_18 : memref<200000xf32, #tpu.memory_space<hbm>>) target(%arg13 : memref<128xf32, #tpu.memory_space<vmem>>) offsets(%arg9 : memref<128xi32, #tpu.memory_space<vmem>>) semaphore(%arg21 : memref<!tpu.dma_semaphore, #tpu.memory_space<semaphore_mem>>)
    %dma_wait3A_19 = tpu.memref_slice %arg3[%mul3A_2] : memref<4096xi32, #tpu.memory_space<hbm>> -> memref<128xi32, #tpu.memory_space<hbm>>
    %dma_wait3A_20 = tpu.memref_slice %arg3[%mul3A_2] : memref<4096xi32, #tpu.memory_space<hbm>> -> memref<128xi32, #tpu.memory_space<hbm>>
    tpu.wait_dma2 semaphore(%arg19 : memref<!tpu.dma_semaphore, #tpu.memory_space<semaphore_mem>>) src(%dma_wait3A_20 : memref<128xi32, #tpu.memory_space<hbm>>) dst(%arg10 : memref<128xi32, #tpu.memory_space<vmem>>)
    %dma_start3A_21 = arith.constant 0 : i32
    %dma_start3A_22 = arith.constant 0 : i32
    %dma_start3A_23 = tpu.memref_slice %arg16[%dma_start3A_21, %dma_start3A_22] : memref<128x128xf32, #tpu.memory_space<vmem>> -> memref<64x128xf32, #tpu.memory_space<vmem>>
    %dma_start3A_24 = arith.constant 0 : i32
    %dma_start3A_25 = tpu.memref_slice %arg10[%dma_start3A_24] : memref<128xi32, #tpu.memory_space<vmem>> -> memref<64xi32, #tpu.memory_space<vmem>>
    %dma_start3A_26 = arith.constant 0 : i32
    %dma_start3A_27 = arith.constant 0 : i32
    %dma_start3A_28 = tpu.memref_slice %arg6[%dma_start3A_26, %dma_start3A_27] : memref<100000x128xf32, #tpu.memory_space<hbm>> -> memref<100000x128xf32, #tpu.memory_space<hbm>>
    tpu.enqueue_indirect_dma source(%dma_start3A_28 : memref<100000x128xf32, #tpu.memory_space<hbm>>) target(%dma_start3A_23 : memref<64x128xf32, #tpu.memory_space<vmem>>) offsets(%dma_start3A_25 : memref<64xi32, #tpu.memory_space<vmem>>) semaphore(%arg23 : memref<!tpu.dma_semaphore, #tpu.memory_space<semaphore_mem>>)
    %dma_start3A_29 = arith.constant 64 : i32
    %dma_start3A_30 = arith.constant 0 : i32
    %dma_start3A_31 = tpu.memref_slice %arg15[%dma_start3A_29, %dma_start3A_30] : memref<128x128xf32, #tpu.memory_space<vmem>> -> memref<64x128xf32, #tpu.memory_space<vmem>>
    %dma_start3A_32 = arith.constant 64 : i32
    %dma_start3A_33 = tpu.memref_slice %arg9[%dma_start3A_32] : memref<128xi32, #tpu.memory_space<vmem>> -> memref<64xi32, #tpu.memory_space<vmem>>
    %dma_start3A_34 = arith.constant 0 : i32
    %dma_start3A_35 = arith.constant 0 : i32
    %dma_start3A_36 = tpu.memref_slice %arg5[%dma_start3A_34, %dma_start3A_35] : memref<100000x128xf32, #tpu.memory_space<hbm>> -> memref<100000x128xf32, #tpu.memory_space<hbm>>
    tpu.enqueue_indirect_dma source(%dma_start3A_36 : memref<100000x128xf32, #tpu.memory_space<hbm>>) target(%dma_start3A_31 : memref<64x128xf32, #tpu.memory_space<vmem>>) offsets(%dma_start3A_33 : memref<64xi32, #tpu.memory_space<vmem>>) semaphore(%arg24 : memref<!tpu.dma_semaphore, #tpu.memory_space<semaphore_mem>>)
    %dma_start3A_37 = arith.constant 64 : i32
    %dma_start3A_38 = arith.constant 0 : i32
    %dma_start3A_39 = tpu.memref_slice %arg16[%dma_start3A_37, %dma_start3A_38] : memref<128x128xf32, #tpu.memory_space<vmem>> -> memref<64x128xf32, #tpu.memory_space<vmem>>
    %dma_start3A_40 = arith.constant 64 : i32
    %dma_start3A_41 = tpu.memref_slice %arg10[%dma_start3A_40] : memref<128xi32, #tpu.memory_space<vmem>> -> memref<64xi32, #tpu.memory_space<vmem>>
    %dma_start3A_42 = arith.constant 0 : i32
    %dma_start3A_43 = arith.constant 0 : i32
    %dma_start3A_44 = tpu.memref_slice %arg6[%dma_start3A_42, %dma_start3A_43] : memref<100000x128xf32, #tpu.memory_space<hbm>> -> memref<100000x128xf32, #tpu.memory_space<hbm>>
    tpu.enqueue_indirect_dma source(%dma_start3A_44 : memref<100000x128xf32, #tpu.memory_space<hbm>>) target(%dma_start3A_39 : memref<64x128xf32, #tpu.memory_space<vmem>>) offsets(%dma_start3A_41 : memref<64xi32, #tpu.memory_space<vmem>>) semaphore(%arg24 : memref<!tpu.dma_semaphore, #tpu.memory_space<semaphore_mem>>)
    %scan3A = arith.constant 0 : i32
    %scan3A_45 = arith.constant 0 : i32
    %scan3A_46 = arith.constant 8 : i32
    %scan3A_47 = arith.addi %scan3A_45, %scan3A_46 : i32
    %scan3A_48 = arith.constant 1 : i32
    %scan3A_49 = scf.for %scan3A_123 = %scan3A_45 to %scan3A_47 step %scan3A_48 iter_args(%scan3A_124 = %scan3A) -> (i32)  : i32 {
      %mul3A_125 = arith.constant 16 : i32
      %mul3A_126 = arith.muli %scan3A_123, %mul3A_125 : i32
      %get3A = arith.index_cast %mul3A_126 : i32 to index
      %get3A_127 = tpu.vector_load %arg10[%get3A] {strides = array<i32>} : memref<128xi32, #tpu.memory_space<vmem>>, vector<16xi32>,
      %add3A_128 = arith.constant 100000 : i32
      %add3A_129 = vector.broadcast %add3A_128 : i32 to vector<16xi32>
      %add3A_130 = arith.addi %get3A_127, %add3A_129 : vector<16xi32>
      %swap3A_131 = arith.index_cast %mul3A_126 : i32 to index
      %swap3A_132 = tpu.vector_load %arg11[%swap3A_131] {strides = array<i32>} : memref<128xi32, #tpu.memory_space<vmem>>, vector<16xi32>,
      tpu.vector_store %arg11[%swap3A_131], %add3A_130 {strides = array<i32>} : memref<128xi32, #tpu.memory_space<vmem>>, vector<16xi32>,
      %scan3A_133 = arith.constant 0 : i32
      scf.yield %scan3A_133 : i32
    }
    %scan3A_50 = arith.constant 8 : i32
    %dma_start3A_51 = arith.constant 0 : i32
    %dma_start3A_52 = tpu.memref_slice %arg7[%dma_start3A_51] : memref<200000xf32, #tpu.memory_space<hbm>> -> memref<200000xf32, #tpu.memory_space<hbm>>
    tpu.enqueue_indirect_dma source(%dma_start3A_52 : memref<200000xf32, #tpu.memory_space<hbm>>) target(%arg14 : memref<128xf32, #tpu.memory_space<vmem>>) offsets(%arg11 : memref<128xi32, #tpu.memory_space<vmem>>) semaphore(%arg22 : memref<!tpu.dma_semaphore, #tpu.memory_space<semaphore_mem>>)
    %dma_wait3A_53 = tpu.memref_slice %arg4[%mul3A_2] : memref<4096xf32, #tpu.memory_space<hbm>> -> memref<128xf32, #tpu.memory_space<hbm>>
    %dma_wait3A_54 = tpu.memref_slice %arg4[%mul3A_2] : memref<4096xf32, #tpu.memory_space<hbm>> -> memref<128xf32, #tpu.memory_space<hbm>>
    tpu.wait_dma2 semaphore(%arg20 : memref<!tpu.dma_semaphore, #tpu.memory_space<semaphore_mem>>) src(%dma_wait3A_54 : memref<128xf32, #tpu.memory_space<hbm>>) dst(%arg12 : memref<128xf32, #tpu.memory_space<vmem>>)
    %dma_wait3A_55 = arith.constant 0 : i32
    %dma_wait3A_56 = tpu.memref_slice %arg7[%dma_wait3A_55] : memref<200000xf32, #tpu.memory_space<hbm>> -> memref<200000xf32, #tpu.memory_space<hbm>>
    tpu.wait_indirect_dma semaphore(%arg21 : memref<!tpu.dma_semaphore, #tpu.memory_space<semaphore_mem>>) src(%dma_wait3A_56 : memref<200000xf32, #tpu.memory_space<hbm>>) dst(%arg13 : memref<128xf32, #tpu.memory_space<vmem>>)
    %dma_wait3A_57 = arith.constant 0 : i32
    %dma_wait3A_58 = tpu.memref_slice %arg7[%dma_wait3A_57] : memref<200000xf32, #tpu.memory_space<hbm>> -> memref<200000xf32, #tpu.memory_space<hbm>>
    tpu.wait_indirect_dma semaphore(%arg22 : memref<!tpu.dma_semaphore, #tpu.memory_space<semaphore_mem>>) src(%dma_wait3A_58 : memref<200000xf32, #tpu.memory_space<hbm>>) dst(%arg14 : memref<128xf32, #tpu.memory_space<vmem>>)
    %iota3A = tpu.iota {dimensions = array<i32: 0>} : vector<16xi32>
    %broadcast_in_dim3A = arith.constant 0.000000e+00 : f32
    %broadcast_in_dim3A_59 = vector.broadcast %broadcast_in_dim3A : f32 to vector<16xf32>
    %dma_wait3A_60 = arith.constant 0 : i32
    %dma_wait3A_61 = arith.constant 0 : i32
    %dma_wait3A_62 = tpu.memref_slice %arg15[%dma_wait3A_60, %dma_wait3A_61] : memref<128x128xf32, #tpu.memory_space<vmem>> -> memref<64x128xf32, #tpu.memory_space<vmem>>
    %dma_wait3A_63 = arith.constant 0 : i32
    %dma_wait3A_64 = tpu.memref_slice %arg9[%dma_wait3A_63] : memref<128xi32, #tpu.memory_space<vmem>> -> memref<64xi32, #tpu.memory_space<vmem>>
    %dma_wait3A_65 = arith.constant 0 : i32
    %dma_wait3A_66 = arith.constant 0 : i32
    %dma_wait3A_67 = tpu.memref_slice %arg5[%dma_wait3A_65, %dma_wait3A_66] : memref<100000x128xf32, #tpu.memory_space<hbm>> -> memref<100000x128xf32, #tpu.memory_space<hbm>>
    tpu.wait_indirect_dma semaphore(%arg23 : memref<!tpu.dma_semaphore, #tpu.memory_space<semaphore_mem>>) src(%dma_wait3A_67 : memref<100000x128xf32, #tpu.memory_space<hbm>>) dst(%dma_wait3A_62 : memref<64x128xf32, #tpu.memory_space<vmem>>)
    %dma_wait3A_68 = arith.constant 0 : i32
    %dma_wait3A_69 = arith.constant 0 : i32
    %dma_wait3A_70 = tpu.memref_slice %arg16[%dma_wait3A_68, %dma_wait3A_69] : memref<128x128xf32, #tpu.memory_space<vmem>> -> memref<64x128xf32, #tpu.memory_space<vmem>>
    %dma_wait3A_71 = arith.constant 0 : i32
    %dma_wait3A_72 = tpu.memref_slice %arg10[%dma_wait3A_71] : memref<128xi32, #tpu.memory_space<vmem>> -> memref<64xi32, #tpu.memory_space<vmem>>
    %dma_wait3A_73 = arith.constant 0 : i32
    %dma_wait3A_74 = arith.constant 0 : i32
    %dma_wait3A_75 = tpu.memref_slice %arg6[%dma_wait3A_73, %dma_wait3A_74] : memref<100000x128xf32, #tpu.memory_space<hbm>> -> memref<100000x128xf32, #tpu.memory_space<hbm>>
    tpu.wait_indirect_dma semaphore(%arg23 : memref<!tpu.dma_semaphore, #tpu.memory_space<semaphore_mem>>) src(%dma_wait3A_75 : memref<100000x128xf32, #tpu.memory_space<hbm>>) dst(%dma_wait3A_70 : memref<64x128xf32, #tpu.memory_space<vmem>>)
    %scan3A_76 = arith.constant 0 : i32
    %scan3A_77 = arith.constant 4 : i32
    %scan3A_78 = arith.addi %scan3A_76, %scan3A_77 : i32
    %scan3A_79 = arith.constant 1 : i32
    %scan3A_80:5 = scf.for %scan3A_123 = %scan3A_76 to %scan3A_78 step %scan3A_79 iter_args(%scan3A_124 = %broadcast_in_dim3A_59, %scan3A_125 = %broadcast_in_dim3A_59, %scan3A_126 = %broadcast_in_dim3A_59, %scan3A_127 = %broadcast_in_dim3A_59, %scan3A_128 = %broadcast_in_dim3A_59) -> (vector<16xf32>, vector<16xf32>, vector<16xf32>, vector<16xf32>, vector<16xf32>)  : i32 {
      %mul3A_129 = arith.constant 16 : i32
      %mul3A_130 = arith.muli %scan3A_123, %mul3A_129 : i32
      %add3A_131 = vector.broadcast %mul3A_130 : i32 to vector<16xi32>
      %add3A_132 = arith.addi %add3A_131, %iota3A : vector<16xi32>
      %scan3A_133 = arith.constant 0 : i32
      %scan3A_134 = arith.constant 128 : i32
      %scan3A_135 = arith.addi %scan3A_133, %scan3A_134 : i32
      %scan3A_136 = arith.constant 8 : i32
      %scan3A_137:2 = scf.for %scan3A_213 = %scan3A_133 to %scan3A_135 step %scan3A_136 iter_args(%scan3A_214 = %broadcast_in_dim3A_59, %scan3A_215 = %iota3A) -> (vector<16xf32>, vector<16xi32>)  : i32 {
        %gather3A = tpu.vector_load_idx %arg15[%add3A_132, %scan3A_215] : memref<128x128xf32, #tpu.memory_space<vmem>>[vector<16xi32>, vector<16xi32>], vector<16xf32>,
        %gather3A_216 = tpu.vector_load_idx %arg16[%add3A_132, %scan3A_215] : memref<128x128xf32, #tpu.memory_space<vmem>>[vector<16xi32>, vector<16xi32>], vector<16xf32>,
        %mul3A_217 = arith.mulf %gather3A, %gather3A_216 : vector<16xf32>
        %add3A_218 = arith.addf %scan3A_214, %mul3A_217 : vector<16xf32>
        %add3A_219 = arith.constant 1 : i32
        %add3A_220 = vector.broadcast %add3A_219 : i32 to vector<16xi32>
        %add3A_221 = arith.addi %scan3A_215, %add3A_220 : vector<16xi32>
        %and3A_222 = arith.constant 127 : i32
        %and3A_223 = vector.broadcast %and3A_222 : i32 to vector<16xi32>
        %and3A_224 = arith.andi %add3A_221, %and3A_223 : vector<16xi32>
        %scan3A_225 = arith.constant 1 : i32
        %scan3A_226 = arith.addi %scan3A_213, %scan3A_225 : i32
        %gather3A_227 = tpu.vector_load_idx %arg15[%add3A_132, %and3A_224] : memref<128x128xf32, #tpu.memory_space<vmem>>[vector<16xi32>, vector<16xi32>], vector<16xf32>,
        %gather3A_228 = tpu.vector_load_idx %arg16[%add3A_132, %and3A_224] : memref<128x128xf32, #tpu.memory_space<vmem>>[vector<16xi32>, vector<16xi32>], vector<16xf32>,
        %mul3A_229 = arith.mulf %gather3A_227, %gather3A_228 : vector<16xf32>
        %add3A_230 = arith.addf %add3A_218, %mul3A_229 : vector<16xf32>
        %add3A_231 = arith.constant 1 : i32
        %add3A_232 = vector.broadcast %add3A_231 : i32 to vector<16xi32>
        %add3A_233 = arith.addi %and3A_224, %add3A_232 : vector<16xi32>
        %and3A_234 = arith.constant 127 : i32
        %and3A_235 = vector.broadcast %and3A_234 : i32 to vector<16xi32>
        %and3A_236 = arith.andi %add3A_233, %and3A_235 : vector<16xi32>
        %scan3A_237 = arith.constant 2 : i32
        %scan3A_238 = arith.addi %scan3A_213, %scan3A_237 : i32
        %gather3A_239 = tpu.vector_load_idx %arg15[%add3A_132, %and3A_236] : memref<128x128xf32, #tpu.memory_space<vmem>>[vector<16xi32>, vector<16xi32>], vector<16xf32>,
        %gather3A_240 = tpu.vector_load_idx %arg16[%add3A_132, %and3A_236] : memref<128x128xf32, #tpu.memory_space<vmem>>[vector<16xi32>, vector<16xi32>], vector<16xf32>,
        %mul3A_241 = arith.mulf %gather3A_239, %gather3A_240 : vector<16xf32>
        %add3A_242 = arith.addf %add3A_230, %mul3A_241 : vector<16xf32>
        %add3A_243 = arith.constant 1 : i32
        %add3A_244 = vector.broadcast %add3A_243 : i32 to vector<16xi32>
        %add3A_245 = arith.addi %and3A_236, %add3A_244 : vector<16xi32>
        %and3A_246 = arith.constant 127 : i32
        %and3A_247 = vector.broadcast %and3A_246 : i32 to vector<16xi32>
        %and3A_248 = arith.andi %add3A_245, %and3A_247 : vector<16xi32>
        %scan3A_249 = arith.constant 3 : i32
        %scan3A_250 = arith.addi %scan3A_213, %scan3A_249 : i32
        %gather3A_251 = tpu.vector_load_idx %arg15[%add3A_132, %and3A_248] : memref<128x128xf32, #tpu.memory_space<vmem>>[vector<16xi32>, vector<16xi32>], vector<16xf32>,
        %gather3A_252 = tpu.vector_load_idx %arg16[%add3A_132, %and3A_248] : memref<128x128xf32, #tpu.memory_space<vmem>>[vector<16xi32>, vector<16xi32>], vector<16xf32>,
        %mul3A_253 = arith.mulf %gather3A_251, %gather3A_252 : vector<16xf32>
        %add3A_254 = arith.addf %add3A_242, %mul3A_253 : vector<16xf32>
        %add3A_255 = arith.constant 1 : i32
        %add3A_256 = vector.broadcast %add3A_255 : i32 to vector<16xi32>
        %add3A_257 = arith.addi %and3A_248, %add3A_256 : vector<16xi32>
        %and3A_258 = arith.constant 127 : i32
        %and3A_259 = vector.broadcast %and3A_258 : i32 to vector<16xi32>
        %and3A_260 = arith.andi %add3A_257, %and3A_259 : vector<16xi32>
        %scan3A_261 = arith.constant 4 : i32
        %scan3A_262 = arith.addi %scan3A_213, %scan3A_261 : i32
        %gather3A_263 = tpu.vector_load_idx %arg15[%add3A_132, %and3A_260] : memref<128x128xf32, #tpu.memory_space<vmem>>[vector<16xi32>, vector<16xi32>], vector<16xf32>,
        %gather3A_264 = tpu.vector_load_idx %arg16[%add3A_132, %and3A_260] : memref<128x128xf32, #tpu.memory_space<vmem>>[vector<16xi32>, vector<16xi32>], vector<16xf32>,
        %mul3A_265 = arith.mulf %gather3A_263, %gather3A_264 : vector<16xf32>
        %add3A_266 = arith.addf %add3A_254, %mul3A_265 : vector<16xf32>
        %add3A_267 = arith.constant 1 : i32
        %add3A_268 = vector.broadcast %add3A_267 : i32 to vector<16xi32>
        %add3A_269 = arith.addi %and3A_260, %add3A_268 : vector<16xi32>
        %and3A_270 = arith.constant 127 : i32
        %and3A_271 = vector.broadcast %and3A_270 : i32 to vector<16xi32>
        %and3A_272 = arith.andi %add3A_269, %and3A_271 : vector<16xi32>
        %scan3A_273 = arith.constant 5 : i32
        %scan3A_274 = arith.addi %scan3A_213, %scan3A_273 : i32
        %gather3A_275 = tpu.vector_load_idx %arg15[%add3A_132, %and3A_272] : memref<128x128xf32, #tpu.memory_space<vmem>>[vector<16xi32>, vector<16xi32>], vector<16xf32>,
        %gather3A_276 = tpu.vector_load_idx %arg16[%add3A_132, %and3A_272] : memref<128x128xf32, #tpu.memory_space<vmem>>[vector<16xi32>, vector<16xi32>], vector<16xf32>,
        %mul3A_277 = arith.mulf %gather3A_275, %gather3A_276 : vector<16xf32>
        %add3A_278 = arith.addf %add3A_266, %mul3A_277 : vector<16xf32>
        %add3A_279 = arith.constant 1 : i32
        %add3A_280 = vector.broadcast %add3A_279 : i32 to vector<16xi32>
        %add3A_281 = arith.addi %and3A_272, %add3A_280 : vector<16xi32>
        %and3A_282 = arith.constant 127 : i32
        %and3A_283 = vector.broadcast %and3A_282 : i32 to vector<16xi32>
        %and3A_284 = arith.andi %add3A_281, %and3A_283 : vector<16xi32>
        %scan3A_285 = arith.constant 6 : i32
        %scan3A_286 = arith.addi %scan3A_213, %scan3A_285 : i32
        %gather3A_287 = tpu.vector_load_idx %arg15[%add3A_132, %and3A_284] : memref<128x128xf32, #tpu.memory_space<vmem>>[vector<16xi32>, vector<16xi32>], vector<16xf32>,
        %gather3A_288 = tpu.vector_load_idx %arg16[%add3A_132, %and3A_284] : memref<128x128xf32, #tpu.memory_space<vmem>>[vector<16xi32>, vector<16xi32>], vector<16xf32>,
        %mul3A_289 = arith.mulf %gather3A_287, %gather3A_288 : vector<16xf32>
        %add3A_290 = arith.addf %add3A_278, %mul3A_289 : vector<16xf32>
        %add3A_291 = arith.constant 1 : i32
        %add3A_292 = vector.broadcast %add3A_291 : i32 to vector<16xi32>
        %add3A_293 = arith.addi %and3A_284, %add3A_292 : vector<16xi32>
        %and3A_294 = arith.constant 127 : i32
        %and3A_295 = vector.broadcast %and3A_294 : i32 to vector<16xi32>
        %and3A_296 = arith.andi %add3A_293, %and3A_295 : vector<16xi32>
        %scan3A_297 = arith.constant 7 : i32
        %scan3A_298 = arith.addi %scan3A_213, %scan3A_297 : i32
        %gather3A_299 = tpu.vector_load_idx %arg15[%add3A_132, %and3A_296] : memref<128x128xf32, #tpu.memory_space<vmem>>[vector<16xi32>, vector<16xi32>], vector<16xf32>,
        %gather3A_300 = tpu.vector_load_idx %arg16[%add3A_132, %and3A_296] : memref<128x128xf32, #tpu.memory_space<vmem>>[vector<16xi32>, vector<16xi32>], vector<16xf32>,
        %mul3A_301 = arith.mulf %gather3A_299, %gather3A_300 : vector<16xf32>
        %add3A_302 = arith.addf %add3A_290, %mul3A_301 : vector<16xf32>
        %add3A_303 = arith.constant 1 : i32
        %add3A_304 = vector.broadcast %add3A_303 : i32 to vector<16xi32>
        %add3A_305 = arith.addi %and3A_296, %add3A_304 : vector<16xi32>
        %and3A_306 = arith.constant 127 : i32
        %and3A_307 = vector.broadcast %and3A_306 : i32 to vector<16xi32>
        %and3A_308 = arith.andi %add3A_305, %and3A_307 : vector<16xi32>
        scf.yield %add3A_302, %and3A_308 : vector<16xf32>, vector<16xi32>
      }
      %scan3A_138 = arith.constant 128 : i32
      %mul3A_139 = arith.constant 16 : i32
      %mul3A_140 = arith.muli %scan3A_123, %mul3A_139 : i32
      %get3A = arith.index_cast %mul3A_140 : i32 to index
      %get3A_141 = tpu.vector_load %arg12[%get3A] {strides = array<i32>} : memref<128xf32, #tpu.memory_space<vmem>>, vector<16xf32>,
      %bitcast3A = vector.bitcast %get3A_141 : vector<16xf32> to vector<16xi32>
      %shift_right_logical3A = arith.constant 23 : i32
      %shift_right_logical3A_142 = vector.broadcast %shift_right_logical3A : i32 to vector<16xi32>
      %shift_right_logical3A_143 = arith.shrui %bitcast3A, %shift_right_logical3A_142 : vector<16xi32>
      %sub3A = arith.constant 127 : i32
      %sub3A_144 = vector.broadcast %sub3A : i32 to vector<16xi32>
      %sub3A_145 = arith.subi %shift_right_logical3A_143, %sub3A_144 : vector<16xi32>
      %and3A = arith.constant 8388607 : i32
      %and3A_146 = vector.broadcast %and3A : i32 to vector<16xi32>
      %and3A_147 = arith.andi %bitcast3A, %and3A_146 : vector<16xi32>
      %or3A = arith.constant 1065353216 : i32
      %or3A_148 = vector.broadcast %or3A : i32 to vector<16xi32>
      %or3A_149 = arith.ori %and3A_147, %or3A_148 : vector<16xi32>
      %bitcast3A_150 = vector.bitcast %or3A_149 : vector<16xi32> to vector<16xf32>
      %gt3A = arith.constant 1.41421354 : f32
      %gt3A_151 = vector.broadcast %gt3A : f32 to vector<16xf32>
      %gt3A_152 = arith.cmpf ogt, %bitcast3A_150, %gt3A_151 : vector<16xf32>
      %mul3A_153 = arith.constant 5.000000e-01 : f32
      %mul3A_154 = vector.broadcast %mul3A_153 : f32 to vector<16xf32>
      %mul3A_155 = arith.mulf %bitcast3A_150, %mul3A_154 : vector<16xf32>
      %select_n3A = arith.select %gt3A_152, %mul3A_155, %bitcast3A_150 : vector<16xi1>, vector<16xf32>
      %add3A_156 = arith.constant 1 : i32
      %add3A_157 = vector.broadcast %add3A_156 : i32 to vector<16xi32>
      %add3A_158 = arith.addi %sub3A_145, %add3A_157 : vector<16xi32>
      %select_n3A_159 = arith.select %gt3A_152, %add3A_158, %sub3A_145 : vector<16xi1>, vector<16xi32>
      %sub3A_160 = arith.constant 1.000000e+00 : f32
      %sub3A_161 = vector.broadcast %sub3A_160 : f32 to vector<16xf32>
      %sub3A_162 = arith.subf %select_n3A, %sub3A_161 : vector<16xf32>
      %add3A_163 = arith.constant 1.000000e+00 : f32
      %add3A_164 = vector.broadcast %add3A_163 : f32 to vector<16xf32>
      %add3A_165 = arith.addf %select_n3A, %add3A_164 : vector<16xf32>
      %div3A = arith.divf %sub3A_162, %add3A_165 : vector<16xf32>
      %mul3A_166 = arith.mulf %div3A, %div3A : vector<16xf32>
      %mul3A_167 = arith.constant 0.222222224 : f32
      %mul3A_168 = vector.broadcast %mul3A_167 : f32 to vector<16xf32>
      %mul3A_169 = arith.mulf %mul3A_166, %mul3A_168 : vector<16xf32>
      %add3A_170 = arith.constant 0.285714298 : f32
      %add3A_171 = vector.broadcast %add3A_170 : f32 to vector<16xf32>
      %add3A_172 = arith.addf %add3A_171, %mul3A_169 : vector<16xf32>
      %mul3A_173 = arith.mulf %mul3A_166, %add3A_172 : vector<16xf32>
      %add3A_174 = arith.constant 4.000000e-01 : f32
      %add3A_175 = vector.broadcast %add3A_174 : f32 to vector<16xf32>
      %add3A_176 = arith.addf %add3A_175, %mul3A_173 : vector<16xf32>
      %mul3A_177 = arith.mulf %mul3A_166, %add3A_176 : vector<16xf32>
      %add3A_178 = arith.constant 0.666666686 : f32
      %add3A_179 = vector.broadcast %add3A_178 : f32 to vector<16xf32>
      %add3A_180 = arith.addf %add3A_179, %mul3A_177 : vector<16xf32>
      %mul3A_181 = arith.mulf %mul3A_166, %add3A_180 : vector<16xf32>
      %add3A_182 = arith.constant 2.000000e+00 : f32
      %add3A_183 = vector.broadcast %add3A_182 : f32 to vector<16xf32>
      %add3A_184 = arith.addf %add3A_183, %mul3A_181 : vector<16xf32>
      %mul3A_185 = arith.mulf %div3A, %add3A_184 : vector<16xf32>
      %convert_element_type3A = arith.sitofp %select_n3A_159 : vector<16xi32> to vector<16xf32>
      %mul3A_186 = arith.constant 0.693147182 : f32
      %mul3A_187 = vector.broadcast %mul3A_186 : f32 to vector<16xf32>
      %mul3A_188 = arith.mulf %convert_element_type3A, %mul3A_187 : vector<16xf32>
      %add3A_189 = arith.addf %mul3A_188, %mul3A_185 : vector<16xf32>
      %sub3A_190 = arith.constant 4.60517025 : f32
      %sub3A_191 = vector.broadcast %sub3A_190 : f32 to vector<16xf32>
      %sub3A_192 = arith.subf %add3A_189, %sub3A_191 : vector<16xf32>
      %mul3A_193 = arith.constant 7.500000e-01 : f32
      %mul3A_194 = vector.broadcast %mul3A_193 : f32 to vector<16xf32>
      %mul3A_195 = arith.mulf %mul3A_194, %sub3A_192 : vector<16xf32>
      %exp3A = math.exp %mul3A_195 : vector<16xf32>
      %min3A = arith.constant 1.000000e+00 : f32
      %min3A_196 = vector.broadcast %min3A : f32 to vector<16xf32>
      %min3A_197 = arith.minimumf %exp3A, %min3A_196 : vector<16xf32>
      %add3A_198 = arith.addf %scan3A_137#0, %add3A_189 : vector<16xf32>
      %get3A_199 = arith.index_cast %mul3A_140 : i32 to index
      %get3A_200 = tpu.vector_load %arg13[%get3A_199] {strides = array<i32>} : memref<128xf32, #tpu.memory_space<vmem>>, vector<16xf32>,
      %get3A_201 = arith.index_cast %mul3A_140 : i32 to index
      %get3A_202 = tpu.vector_load %arg14[%get3A_201] {strides = array<i32>} : memref<128xf32, #tpu.memory_space<vmem>>, vector<16xf32>,
      %add3A_203 = arith.addf %get3A_200, %get3A_202 : vector<16xf32>
      %mul3A_204 = arith.mulf %min3A_197, %add3A_198 : vector<16xf32>
      %mul3A_205 = arith.mulf %mul3A_204, %add3A_198 : vector<16xf32>
      %add3A_206 = arith.addf %scan3A_124, %mul3A_205 : vector<16xf32>
      %mul3A_207 = arith.mulf %min3A_197, %add3A_198 : vector<16xf32>
      %add3A_208 = arith.addf %scan3A_125, %mul3A_207 : vector<16xf32>
      %add3A_209 = arith.addf %scan3A_126, %min3A_197 : vector<16xf32>
      %add3A_210 = arith.addf %scan3A_127, %add3A_203 : vector<16xf32>
      %mul3A_211 = arith.mulf %add3A_203, %add3A_203 : vector<16xf32>
      %add3A_212 = arith.addf %scan3A_128, %mul3A_211 : vector<16xf32>
      scf.yield %add3A_206, %add3A_208, %add3A_209, %add3A_210, %add3A_212 : vector<16xf32>, vector<16xf32>, vector<16xf32>, vector<16xf32>, vector<16xf32>
    }
    %scan3A_81 = arith.constant 4 : i32
    %dma_wait3A_82 = arith.constant 64 : i32
    %dma_wait3A_83 = arith.constant 0 : i32
    %dma_wait3A_84 = tpu.memref_slice %arg15[%dma_wait3A_82, %dma_wait3A_83] : memref<128x128xf32, #tpu.memory_space<vmem>> -> memref<64x128xf32, #tpu.memory_space<vmem>>
    %dma_wait3A_85 = arith.constant 64 : i32
    %dma_wait3A_86 = tpu.memref_slice %arg9[%dma_wait3A_85] : memref<128xi32, #tpu.memory_space<vmem>> -> memref<64xi32, #tpu.memory_space<vmem>>
    %dma_wait3A_87 = arith.constant 0 : i32
    %dma_wait3A_88 = arith.constant 0 : i32
    %dma_wait3A_89 = tpu.memref_slice %arg5[%dma_wait3A_87, %dma_wait3A_88] : memref<100000x128xf32, #tpu.memory_space<hbm>> -> memref<100000x128xf32, #tpu.memory_space<hbm>>
    tpu.wait_indirect_dma semaphore(%arg24 : memref<!tpu.dma_semaphore, #tpu.memory_space<semaphore_mem>>) src(%dma_wait3A_89 : memref<100000x128xf32, #tpu.memory_space<hbm>>) dst(%dma_wait3A_84 : memref<64x128xf32, #tpu.memory_space<vmem>>)
    %dma_wait3A_90 = arith.constant 64 : i32
    %dma_wait3A_91 = arith.constant 0 : i32
    %dma_wait3A_92 = tpu.memref_slice %arg16[%dma_wait3A_90, %dma_wait3A_91] : memref<128x128xf32, #tpu.memory_space<vmem>> -> memref<64x128xf32, #tpu.memory_space<vmem>>
    %dma_wait3A_93 = arith.constant 64 : i32
    %dma_wait3A_94 = tpu.memref_slice %arg10[%dma_wait3A_93] : memref<128xi32, #tpu.memory_space<vmem>> -> memref<64xi32, #tpu.memory_space<vmem>>
    %dma_wait3A_95 = arith.constant 0 : i32
    %dma_wait3A_96 = arith.constant 0 : i32
    %dma_wait3A_97 = tpu.memref_slice %arg6[%dma_wait3A_95, %dma_wait3A_96] : memref<100000x128xf32, #tpu.memory_space<hbm>> -> memref<100000x128xf32, #tpu.memory_space<hbm>>
    tpu.wait_indirect_dma semaphore(%arg24 : memref<!tpu.dma_semaphore, #tpu.memory_space<semaphore_mem>>) src(%dma_wait3A_97 : memref<100000x128xf32, #tpu.memory_space<hbm>>) dst(%dma_wait3A_92 : memref<64x128xf32, #tpu.memory_space<vmem>>)
    %scan3A_98 = arith.constant 4 : i32
    %scan3A_99 = arith.constant 4 : i32
    %scan3A_100 = arith.addi %scan3A_98, %scan3A_99 : i32
    %scan3A_101 = arith.constant 1 : i32
    %scan3A_102:5 = scf.for %scan3A_123 = %scan3A_98 to %scan3A_100 step %scan3A_101 iter_args(%scan3A_124 = %scan3A_80#0, %scan3A_125 = %scan3A_80#1, %scan3A_126 = %scan3A_80#2, %scan3A_127 = %scan3A_80#3, %scan3A_128 = %scan3A_80#4) -> (vector<16xf32>, vector<16xf32>, vector<16xf32>, vector<16xf32>, vector<16xf32>)  : i32 {
      %mul3A_129 = arith.constant 16 : i32
      %mul3A_130 = arith.muli %scan3A_123, %mul3A_129 : i32
      %add3A_131 = vector.broadcast %mul3A_130 : i32 to vector<16xi32>
      %add3A_132 = arith.addi %add3A_131, %iota3A : vector<16xi32>
      %scan3A_133 = arith.constant 0 : i32
      %scan3A_134 = arith.constant 128 : i32
      %scan3A_135 = arith.addi %scan3A_133, %scan3A_134 : i32
      %scan3A_136 = arith.constant 8 : i32
      %scan3A_137:2 = scf.for %scan3A_213 = %scan3A_133 to %scan3A_135 step %scan3A_136 iter_args(%scan3A_214 = %broadcast_in_dim3A_59, %scan3A_215 = %iota3A) -> (vector<16xf32>, vector<16xi32>)  : i32 {
        %gather3A = tpu.vector_load_idx %arg15[%add3A_132, %scan3A_215] : memref<128x128xf32, #tpu.memory_space<vmem>>[vector<16xi32>, vector<16xi32>], vector<16xf32>,
        %gather3A_216 = tpu.vector_load_idx %arg16[%add3A_132, %scan3A_215] : memref<128x128xf32, #tpu.memory_space<vmem>>[vector<16xi32>, vector<16xi32>], vector<16xf32>,
        %mul3A_217 = arith.mulf %gather3A, %gather3A_216 : vector<16xf32>
        %add3A_218 = arith.addf %scan3A_214, %mul3A_217 : vector<16xf32>
        %add3A_219 = arith.constant 1 : i32
        %add3A_220 = vector.broadcast %add3A_219 : i32 to vector<16xi32>
        %add3A_221 = arith.addi %scan3A_215, %add3A_220 : vector<16xi32>
        %and3A_222 = arith.constant 127 : i32
        %and3A_223 = vector.broadcast %and3A_222 : i32 to vector<16xi32>
        %and3A_224 = arith.andi %add3A_221, %and3A_223 : vector<16xi32>
        %scan3A_225 = arith.constant 1 : i32
        %scan3A_226 = arith.addi %scan3A_213, %scan3A_225 : i32
        %gather3A_227 = tpu.vector_load_idx %arg15[%add3A_132, %and3A_224] : memref<128x128xf32, #tpu.memory_space<vmem>>[vector<16xi32>, vector<16xi32>], vector<16xf32>,
        %gather3A_228 = tpu.vector_load_idx %arg16[%add3A_132, %and3A_224] : memref<128x128xf32, #tpu.memory_space<vmem>>[vector<16xi32>, vector<16xi32>], vector<16xf32>,
        %mul3A_229 = arith.mulf %gather3A_227, %gather3A_228 : vector<16xf32>
        %add3A_230 = arith.addf %add3A_218, %mul3A_229 : vector<16xf32>
        %add3A_231 = arith.constant 1 : i32
        %add3A_232 = vector.broadcast %add3A_231 : i32 to vector<16xi32>
        %add3A_233 = arith.addi %and3A_224, %add3A_232 : vector<16xi32>
        %and3A_234 = arith.constant 127 : i32
        %and3A_235 = vector.broadcast %and3A_234 : i32 to vector<16xi32>
        %and3A_236 = arith.andi %add3A_233, %and3A_235 : vector<16xi32>
        %scan3A_237 = arith.constant 2 : i32
        %scan3A_238 = arith.addi %scan3A_213, %scan3A_237 : i32
        %gather3A_239 = tpu.vector_load_idx %arg15[%add3A_132, %and3A_236] : memref<128x128xf32, #tpu.memory_space<vmem>>[vector<16xi32>, vector<16xi32>], vector<16xf32>,
        %gather3A_240 = tpu.vector_load_idx %arg16[%add3A_132, %and3A_236] : memref<128x128xf32, #tpu.memory_space<vmem>>[vector<16xi32>, vector<16xi32>], vector<16xf32>,
        %mul3A_241 = arith.mulf %gather3A_239, %gather3A_240 : vector<16xf32>
        %add3A_242 = arith.addf %add3A_230, %mul3A_241 : vector<16xf32>
        %add3A_243 = arith.constant 1 : i32
        %add3A_244 = vector.broadcast %add3A_243 : i32 to vector<16xi32>
        %add3A_245 = arith.addi %and3A_236, %add3A_244 : vector<16xi32>
        %and3A_246 = arith.constant 127 : i32
        %and3A_247 = vector.broadcast %and3A_246 : i32 to vector<16xi32>
        %and3A_248 = arith.andi %add3A_245, %and3A_247 : vector<16xi32>
        %scan3A_249 = arith.constant 3 : i32
        %scan3A_250 = arith.addi %scan3A_213, %scan3A_249 : i32
        %gather3A_251 = tpu.vector_load_idx %arg15[%add3A_132, %and3A_248] : memref<128x128xf32, #tpu.memory_space<vmem>>[vector<16xi32>, vector<16xi32>], vector<16xf32>,
        %gather3A_252 = tpu.vector_load_idx %arg16[%add3A_132, %and3A_248] : memref<128x128xf32, #tpu.memory_space<vmem>>[vector<16xi32>, vector<16xi32>], vector<16xf32>,
        %mul3A_253 = arith.mulf %gather3A_251, %gather3A_252 : vector<16xf32>
        %add3A_254 = arith.addf %add3A_242, %mul3A_253 : vector<16xf32>
        %add3A_255 = arith.constant 1 : i32
        %add3A_256 = vector.broadcast %add3A_255 : i32 to vector<16xi32>
        %add3A_257 = arith.addi %and3A_248, %add3A_256 : vector<16xi32>
        %and3A_258 = arith.constant 127 : i32
        %and3A_259 = vector.broadcast %and3A_258 : i32 to vector<16xi32>
        %and3A_260 = arith.andi %add3A_257, %and3A_259 : vector<16xi32>
        %scan3A_261 = arith.constant 4 : i32
        %scan3A_262 = arith.addi %scan3A_213, %scan3A_261 : i32
        %gather3A_263 = tpu.vector_load_idx %arg15[%add3A_132, %and3A_260] : memref<128x128xf32, #tpu.memory_space<vmem>>[vector<16xi32>, vector<16xi32>], vector<16xf32>,
        %gather3A_264 = tpu.vector_load_idx %arg16[%add3A_132, %and3A_260] : memref<128x128xf32, #tpu.memory_space<vmem>>[vector<16xi32>, vector<16xi32>], vector<16xf32>,
        %mul3A_265 = arith.mulf %gather3A_263, %gather3A_264 : vector<16xf32>
        %add3A_266 = arith.addf %add3A_254, %mul3A_265 : vector<16xf32>
        %add3A_267 = arith.constant 1 : i32
        %add3A_268 = vector.broadcast %add3A_267 : i32 to vector<16xi32>
        %add3A_269 = arith.addi %and3A_260, %add3A_268 : vector<16xi32>
        %and3A_270 = arith.constant 127 : i32
        %and3A_271 = vector.broadcast %and3A_270 : i32 to vector<16xi32>
        %and3A_272 = arith.andi %add3A_269, %and3A_271 : vector<16xi32>
        %scan3A_273 = arith.constant 5 : i32
        %scan3A_274 = arith.addi %scan3A_213, %scan3A_273 : i32
        %gather3A_275 = tpu.vector_load_idx %arg15[%add3A_132, %and3A_272] : memref<128x128xf32, #tpu.memory_space<vmem>>[vector<16xi32>, vector<16xi32>], vector<16xf32>,
        %gather3A_276 = tpu.vector_load_idx %arg16[%add3A_132, %and3A_272] : memref<128x128xf32, #tpu.memory_space<vmem>>[vector<16xi32>, vector<16xi32>], vector<16xf32>,
        %mul3A_277 = arith.mulf %gather3A_275, %gather3A_276 : vector<16xf32>
        %add3A_278 = arith.addf %add3A_266, %mul3A_277 : vector<16xf32>
        %add3A_279 = arith.constant 1 : i32
        %add3A_280 = vector.broadcast %add3A_279 : i32 to vector<16xi32>
        %add3A_281 = arith.addi %and3A_272, %add3A_280 : vector<16xi32>
        %and3A_282 = arith.constant 127 : i32
        %and3A_283 = vector.broadcast %and3A_282 : i32 to vector<16xi32>
        %and3A_284 = arith.andi %add3A_281, %and3A_283 : vector<16xi32>
        %scan3A_285 = arith.constant 6 : i32
        %scan3A_286 = arith.addi %scan3A_213, %scan3A_285 : i32
        %gather3A_287 = tpu.vector_load_idx %arg15[%add3A_132, %and3A_284] : memref<128x128xf32, #tpu.memory_space<vmem>>[vector<16xi32>, vector<16xi32>], vector<16xf32>,
        %gather3A_288 = tpu.vector_load_idx %arg16[%add3A_132, %and3A_284] : memref<128x128xf32, #tpu.memory_space<vmem>>[vector<16xi32>, vector<16xi32>], vector<16xf32>,
        %mul3A_289 = arith.mulf %gather3A_287, %gather3A_288 : vector<16xf32>
        %add3A_290 = arith.addf %add3A_278, %mul3A_289 : vector<16xf32>
        %add3A_291 = arith.constant 1 : i32
        %add3A_292 = vector.broadcast %add3A_291 : i32 to vector<16xi32>
        %add3A_293 = arith.addi %and3A_284, %add3A_292 : vector<16xi32>
        %and3A_294 = arith.constant 127 : i32
        %and3A_295 = vector.broadcast %and3A_294 : i32 to vector<16xi32>
        %and3A_296 = arith.andi %add3A_293, %and3A_295 : vector<16xi32>
        %scan3A_297 = arith.constant 7 : i32
        %scan3A_298 = arith.addi %scan3A_213, %scan3A_297 : i32
        %gather3A_299 = tpu.vector_load_idx %arg15[%add3A_132, %and3A_296] : memref<128x128xf32, #tpu.memory_space<vmem>>[vector<16xi32>, vector<16xi32>], vector<16xf32>,
        %gather3A_300 = tpu.vector_load_idx %arg16[%add3A_132, %and3A_296] : memref<128x128xf32, #tpu.memory_space<vmem>>[vector<16xi32>, vector<16xi32>], vector<16xf32>,
        %mul3A_301 = arith.mulf %gather3A_299, %gather3A_300 : vector<16xf32>
        %add3A_302 = arith.addf %add3A_290, %mul3A_301 : vector<16xf32>
        %add3A_303 = arith.constant 1 : i32
        %add3A_304 = vector.broadcast %add3A_303 : i32 to vector<16xi32>
        %add3A_305 = arith.addi %and3A_296, %add3A_304 : vector<16xi32>
        %and3A_306 = arith.constant 127 : i32
        %and3A_307 = vector.broadcast %and3A_306 : i32 to vector<16xi32>
        %and3A_308 = arith.andi %add3A_305, %and3A_307 : vector<16xi32>
        scf.yield %add3A_302, %and3A_308 : vector<16xf32>, vector<16xi32>
      }
      %scan3A_138 = arith.constant 128 : i32
      %mul3A_139 = arith.constant 16 : i32
      %mul3A_140 = arith.muli %scan3A_123, %mul3A_139 : i32
      %get3A = arith.index_cast %mul3A_140 : i32 to index
      %get3A_141 = tpu.vector_load %arg12[%get3A] {strides = array<i32>} : memref<128xf32, #tpu.memory_space<vmem>>, vector<16xf32>,
      %bitcast3A = vector.bitcast %get3A_141 : vector<16xf32> to vector<16xi32>
      %shift_right_logical3A = arith.constant 23 : i32
      %shift_right_logical3A_142 = vector.broadcast %shift_right_logical3A : i32 to vector<16xi32>
      %shift_right_logical3A_143 = arith.shrui %bitcast3A, %shift_right_logical3A_142 : vector<16xi32>
      %sub3A = arith.constant 127 : i32
      %sub3A_144 = vector.broadcast %sub3A : i32 to vector<16xi32>
      %sub3A_145 = arith.subi %shift_right_logical3A_143, %sub3A_144 : vector<16xi32>
      %and3A = arith.constant 8388607 : i32
      %and3A_146 = vector.broadcast %and3A : i32 to vector<16xi32>
      %and3A_147 = arith.andi %bitcast3A, %and3A_146 : vector<16xi32>
      %or3A = arith.constant 1065353216 : i32
      %or3A_148 = vector.broadcast %or3A : i32 to vector<16xi32>
      %or3A_149 = arith.ori %and3A_147, %or3A_148 : vector<16xi32>
      %bitcast3A_150 = vector.bitcast %or3A_149 : vector<16xi32> to vector<16xf32>
      %gt3A = arith.constant 1.41421354 : f32
      %gt3A_151 = vector.broadcast %gt3A : f32 to vector<16xf32>
      %gt3A_152 = arith.cmpf ogt, %bitcast3A_150, %gt3A_151 : vector<16xf32>
      %mul3A_153 = arith.constant 5.000000e-01 : f32
      %mul3A_154 = vector.broadcast %mul3A_153 : f32 to vector<16xf32>
      %mul3A_155 = arith.mulf %bitcast3A_150, %mul3A_154 : vector<16xf32>
      %select_n3A = arith.select %gt3A_152, %mul3A_155, %bitcast3A_150 : vector<16xi1>, vector<16xf32>
      %add3A_156 = arith.constant 1 : i32
      %add3A_157 = vector.broadcast %add3A_156 : i32 to vector<16xi32>
      %add3A_158 = arith.addi %sub3A_145, %add3A_157 : vector<16xi32>
      %select_n3A_159 = arith.select %gt3A_152, %add3A_158, %sub3A_145 : vector<16xi1>, vector<16xi32>
      %sub3A_160 = arith.constant 1.000000e+00 : f32
      %sub3A_161 = vector.broadcast %sub3A_160 : f32 to vector<16xf32>
      %sub3A_162 = arith.subf %select_n3A, %sub3A_161 : vector<16xf32>
      %add3A_163 = arith.constant 1.000000e+00 : f32
      %add3A_164 = vector.broadcast %add3A_163 : f32 to vector<16xf32>
      %add3A_165 = arith.addf %select_n3A, %add3A_164 : vector<16xf32>
      %div3A = arith.divf %sub3A_162, %add3A_165 : vector<16xf32>
      %mul3A_166 = arith.mulf %div3A, %div3A : vector<16xf32>
      %mul3A_167 = arith.constant 0.222222224 : f32
      %mul3A_168 = vector.broadcast %mul3A_167 : f32 to vector<16xf32>
      %mul3A_169 = arith.mulf %mul3A_166, %mul3A_168 : vector<16xf32>
      %add3A_170 = arith.constant 0.285714298 : f32
      %add3A_171 = vector.broadcast %add3A_170 : f32 to vector<16xf32>
      %add3A_172 = arith.addf %add3A_171, %mul3A_169 : vector<16xf32>
      %mul3A_173 = arith.mulf %mul3A_166, %add3A_172 : vector<16xf32>
      %add3A_174 = arith.constant 4.000000e-01 : f32
      %add3A_175 = vector.broadcast %add3A_174 : f32 to vector<16xf32>
      %add3A_176 = arith.addf %add3A_175, %mul3A_173 : vector<16xf32>
      %mul3A_177 = arith.mulf %mul3A_166, %add3A_176 : vector<16xf32>
      %add3A_178 = arith.constant 0.666666686 : f32
      %add3A_179 = vector.broadcast %add3A_178 : f32 to vector<16xf32>
      %add3A_180 = arith.addf %add3A_179, %mul3A_177 : vector<16xf32>
      %mul3A_181 = arith.mulf %mul3A_166, %add3A_180 : vector<16xf32>
      %add3A_182 = arith.constant 2.000000e+00 : f32
      %add3A_183 = vector.broadcast %add3A_182 : f32 to vector<16xf32>
      %add3A_184 = arith.addf %add3A_183, %mul3A_181 : vector<16xf32>
      %mul3A_185 = arith.mulf %div3A, %add3A_184 : vector<16xf32>
      %convert_element_type3A = arith.sitofp %select_n3A_159 : vector<16xi32> to vector<16xf32>
      %mul3A_186 = arith.constant 0.693147182 : f32
      %mul3A_187 = vector.broadcast %mul3A_186 : f32 to vector<16xf32>
      %mul3A_188 = arith.mulf %convert_element_type3A, %mul3A_187 : vector<16xf32>
      %add3A_189 = arith.addf %mul3A_188, %mul3A_185 : vector<16xf32>
      %sub3A_190 = arith.constant 4.60517025 : f32
      %sub3A_191 = vector.broadcast %sub3A_190 : f32 to vector<16xf32>
      %sub3A_192 = arith.subf %add3A_189, %sub3A_191 : vector<16xf32>
      %mul3A_193 = arith.constant 7.500000e-01 : f32
      %mul3A_194 = vector.broadcast %mul3A_193 : f32 to vector<16xf32>
      %mul3A_195 = arith.mulf %mul3A_194, %sub3A_192 : vector<16xf32>
      %exp3A = math.exp %mul3A_195 : vector<16xf32>
      %min3A = arith.constant 1.000000e+00 : f32
      %min3A_196 = vector.broadcast %min3A : f32 to vector<16xf32>
      %min3A_197 = arith.minimumf %exp3A, %min3A_196 : vector<16xf32>
      %add3A_198 = arith.addf %scan3A_137#0, %add3A_189 : vector<16xf32>
      %get3A_199 = arith.index_cast %mul3A_140 : i32 to index
      %get3A_200 = tpu.vector_load %arg13[%get3A_199] {strides = array<i32>} : memref<128xf32, #tpu.memory_space<vmem>>, vector<16xf32>,
      %get3A_201 = arith.index_cast %mul3A_140 : i32 to index
      %get3A_202 = tpu.vector_load %arg14[%get3A_201] {strides = array<i32>} : memref<128xf32, #tpu.memory_space<vmem>>, vector<16xf32>,
      %add3A_203 = arith.addf %get3A_200, %get3A_202 : vector<16xf32>
      %mul3A_204 = arith.mulf %min3A_197, %add3A_198 : vector<16xf32>
      %mul3A_205 = arith.mulf %mul3A_204, %add3A_198 : vector<16xf32>
      %add3A_206 = arith.addf %scan3A_124, %mul3A_205 : vector<16xf32>
      %mul3A_207 = arith.mulf %min3A_197, %add3A_198 : vector<16xf32>
      %add3A_208 = arith.addf %scan3A_125, %mul3A_207 : vector<16xf32>
      %add3A_209 = arith.addf %scan3A_126, %min3A_197 : vector<16xf32>
      %add3A_210 = arith.addf %scan3A_127, %add3A_203 : vector<16xf32>
      %mul3A_211 = arith.mulf %add3A_203, %add3A_203 : vector<16xf32>
      %add3A_212 = arith.addf %scan3A_128, %mul3A_211 : vector<16xf32>
      scf.yield %add3A_206, %add3A_208, %add3A_209, %add3A_210, %add3A_212 : vector<16xf32>, vector<16xf32>, vector<16xf32>, vector<16xf32>, vector<16xf32>
    }
    %scan3A_103 = arith.constant 4 : i32
    %swap3A = arith.constant 0 : i32
    %swap3A_104 = arith.index_cast %swap3A : i32 to index
    %swap3A_105 = arith.constant 0 : index
    %swap3A_106 = tpu.vector_load %arg17[%swap3A_104, %swap3A_105] {strides = array<i32>} : memref<5x16xf32, #tpu.memory_space<vmem>>, vector<16xf32>,
    tpu.vector_store %arg17[%swap3A_104, %swap3A_105], %scan3A_102#0 {strides = array<i32>} : memref<5x16xf32, #tpu.memory_space<vmem>>, vector<16xf32>,
    %swap3A_107 = arith.constant 1 : i32
    %swap3A_108 = arith.index_cast %swap3A_107 : i32 to index
    %swap3A_109 = arith.constant 0 : index
    %swap3A_110 = tpu.vector_load %arg17[%swap3A_108, %swap3A_109] {strides = array<i32>} : memref<5x16xf32, #tpu.memory_space<vmem>>, vector<16xf32>,
    tpu.vector_store %arg17[%swap3A_108, %swap3A_109], %scan3A_102#1 {strides = array<i32>} : memref<5x16xf32, #tpu.memory_space<vmem>>, vector<16xf32>,
    %swap3A_111 = arith.constant 2 : i32
    %swap3A_112 = arith.index_cast %swap3A_111 : i32 to index
    %swap3A_113 = arith.constant 0 : index
    %swap3A_114 = tpu.vector_load %arg17[%swap3A_112, %swap3A_113] {strides = array<i32>} : memref<5x16xf32, #tpu.memory_space<vmem>>, vector<16xf32>,
    tpu.vector_store %arg17[%swap3A_112, %swap3A_113], %scan3A_102#2 {strides = array<i32>} : memref<5x16xf32, #tpu.memory_space<vmem>>, vector<16xf32>,
    %swap3A_115 = arith.constant 3 : i32
    %swap3A_116 = arith.index_cast %swap3A_115 : i32 to index
    %swap3A_117 = arith.constant 0 : index
    %swap3A_118 = tpu.vector_load %arg17[%swap3A_116, %swap3A_117] {strides = array<i32>} : memref<5x16xf32, #tpu.memory_space<vmem>>, vector<16xf32>,
    tpu.vector_store %arg17[%swap3A_116, %swap3A_117], %scan3A_102#3 {strides = array<i32>} : memref<5x16xf32, #tpu.memory_space<vmem>>, vector<16xf32>,
    %swap3A_119 = arith.constant 4 : i32
    %swap3A_120 = arith.index_cast %swap3A_119 : i32 to index
    %swap3A_121 = arith.constant 0 : index
    %swap3A_122 = tpu.vector_load %arg17[%swap3A_120, %swap3A_121] {strides = array<i32>} : memref<5x16xf32, #tpu.memory_space<vmem>>, vector<16xf32>,
    tpu.vector_store %arg17[%swap3A_120, %swap3A_121], %scan3A_102#4 {strides = array<i32>} : memref<5x16xf32, #tpu.memory_space<vmem>>, vector<16xf32>,
    "tpu.region"() ({
      %run_scoped3A = tpu.sem_alloc : memref<!tpu.dma_semaphore, #tpu.memory_space<semaphore_mem>>
      %dma_start3A_123 = arith.constant 0 : i32
      %dma_start3A_124 = arith.constant 0 : i32
      %dma_start3A_125 = tpu.memref_slice %arg8[%add3A, %dma_start3A_123, %dma_start3A_124] : memref<32x5x16xf32, #tpu.memory_space<hbm>> -> memref<1x5x16xf32, #tpu.memory_space<hbm>>
      %dma_start3A_126 = tpu.memref_squeeze %dma_start3A_125 : memref<1x5x16xf32, #tpu.memory_space<hbm>> -> memref<5x16xf32, #tpu.memory_space<hbm>>
      %dma_start3A_127 = arith.constant 0 : i32
      %dma_start3A_128 = arith.constant 0 : i32
      %dma_start3A_129 = tpu.memref_slice %arg8[%add3A, %dma_start3A_127, %dma_start3A_128] : memref<32x5x16xf32, #tpu.memory_space<hbm>> -> memref<1x5x16xf32, #tpu.memory_space<hbm>>
      %dma_start3A_130 = tpu.memref_squeeze %dma_start3A_129 : memref<1x5x16xf32, #tpu.memory_space<hbm>> -> memref<5x16xf32, #tpu.memory_space<hbm>>
      tpu.enqueue_dma source(%arg17 : memref<5x16xf32, #tpu.memory_space<vmem>>) target(%dma_start3A_130 : memref<5x16xf32, #tpu.memory_space<hbm>>) target_semaphore(%run_scoped3A : memref<!tpu.dma_semaphore, #tpu.memory_space<semaphore_mem>>)
      %dma_wait3A_131 = arith.constant 0 : i32
      %dma_wait3A_132 = arith.constant 0 : i32
      %dma_wait3A_133 = tpu.memref_slice %arg8[%add3A, %dma_wait3A_131, %dma_wait3A_132] : memref<32x5x16xf32, #tpu.memory_space<hbm>> -> memref<1x5x16xf32, #tpu.memory_space<hbm>>
      %dma_wait3A_134 = tpu.memref_squeeze %dma_wait3A_133 : memref<1x5x16xf32, #tpu.memory_space<hbm>> -> memref<5x16xf32, #tpu.memory_space<hbm>>
      %dma_wait3A_135 = arith.constant 0 : i32
      %dma_wait3A_136 = arith.constant 0 : i32
      %dma_wait3A_137 = tpu.memref_slice %arg8[%add3A, %dma_wait3A_135, %dma_wait3A_136] : memref<32x5x16xf32, #tpu.memory_space<hbm>> -> memref<1x5x16xf32, #tpu.memory_space<hbm>>
      %dma_wait3A_138 = tpu.memref_squeeze %dma_wait3A_137 : memref<1x5x16xf32, #tpu.memory_space<hbm>> -> memref<5x16xf32, #tpu.memory_space<hbm>>
      tpu.wait_dma2 semaphore(%run_scoped3A : memref<!tpu.dma_semaphore, #tpu.memory_space<semaphore_mem>>) src(%arg17 : memref<5x16xf32, #tpu.memory_space<vmem>>) dst(%dma_wait3A_138 : memref<5x16xf32, #tpu.memory_space<hbm>>)
      tpu.yield
    }) : () -> ()
    return
  }
}

module attributes {stable_mosaic.version = 14 : i64} {
  func.func @_combine(%arg0: memref<32x5x16xf32, #tpu.memory_space<vmem>>, %arg1: memref<1x1xf32, #tpu.memory_space<vmem>>) attributes {dimension_semantics = [], scalar_prefetch = 0 : i64, scratch_operands = 0 : i64, tpu.core_type = #tpu.core_type<tc>} {
    %get3A = arith.constant 0 : index
    %get3A_0 = arith.constant 0 : index
    %get3A_1 = arith.constant 0 : index
    %get3A_2 = vector.load %arg0[%get3A, %get3A_0, %get3A_1] : memref<32x5x16xf32, #tpu.memory_space<vmem>>, vector<32x1x16xf32>
    %get3A_3 = vector.shape_cast %get3A_2 : vector<32x1x16xf32> to vector<32x16xf32>
    %reduce_sum3A = vector.shape_cast %get3A_3 : vector<32x16xf32> to vector<1x32x16xf32>
    %reduce_sum3A_4 = arith.constant dense<0.000000e+00> : vector<1xf32>
    %reduce_sum3A_5 = vector.multi_reduction <add>, %reduce_sum3A, %reduce_sum3A_4 [1, 2] : vector<1x32x16xf32> to vector<1xf32>
    %reduce_sum3A_6 = vector.shape_cast %reduce_sum3A_5 : vector<1xf32> to vector<1x1x1xf32>
    %reduce_sum3A_7 = vector.extract %reduce_sum3A_6[0, 0, 0] : f32 from vector<1x1x1xf32>
    %get3A_8 = arith.constant 0 : index
    %get3A_9 = arith.constant 1 : index
    %get3A_10 = arith.constant 0 : index
    %get3A_11 = vector.load %arg0[%get3A_8, %get3A_9, %get3A_10] : memref<32x5x16xf32, #tpu.memory_space<vmem>>, vector<32x1x16xf32>
    %get3A_12 = vector.shape_cast %get3A_11 : vector<32x1x16xf32> to vector<32x16xf32>
    %reduce_sum3A_13 = vector.shape_cast %get3A_12 : vector<32x16xf32> to vector<1x32x16xf32>
    %reduce_sum3A_14 = arith.constant dense<0.000000e+00> : vector<1xf32>
    %reduce_sum3A_15 = vector.multi_reduction <add>, %reduce_sum3A_13, %reduce_sum3A_14 [1, 2] : vector<1x32x16xf32> to vector<1xf32>
    %reduce_sum3A_16 = vector.shape_cast %reduce_sum3A_15 : vector<1xf32> to vector<1x1x1xf32>
    %reduce_sum3A_17 = vector.extract %reduce_sum3A_16[0, 0, 0] : f32 from vector<1x1x1xf32>
    %get3A_18 = arith.constant 0 : index
    %get3A_19 = arith.constant 2 : index
    %get3A_20 = arith.constant 0 : index
    %get3A_21 = vector.load %arg0[%get3A_18, %get3A_19, %get3A_20] : memref<32x5x16xf32, #tpu.memory_space<vmem>>, vector<32x1x16xf32>
    %get3A_22 = vector.shape_cast %get3A_21 : vector<32x1x16xf32> to vector<32x16xf32>
    %reduce_sum3A_23 = vector.shape_cast %get3A_22 : vector<32x16xf32> to vector<1x32x16xf32>
    %reduce_sum3A_24 = arith.constant dense<0.000000e+00> : vector<1xf32>
    %reduce_sum3A_25 = vector.multi_reduction <add>, %reduce_sum3A_23, %reduce_sum3A_24 [1, 2] : vector<1x32x16xf32> to vector<1xf32>
    %reduce_sum3A_26 = vector.shape_cast %reduce_sum3A_25 : vector<1xf32> to vector<1x1x1xf32>
    %reduce_sum3A_27 = vector.extract %reduce_sum3A_26[0, 0, 0] : f32 from vector<1x1x1xf32>
    %get3A_28 = arith.constant 0 : index
    %get3A_29 = arith.constant 3 : index
    %get3A_30 = arith.constant 0 : index
    %get3A_31 = vector.load %arg0[%get3A_28, %get3A_29, %get3A_30] : memref<32x5x16xf32, #tpu.memory_space<vmem>>, vector<32x1x16xf32>
    %get3A_32 = vector.shape_cast %get3A_31 : vector<32x1x16xf32> to vector<32x16xf32>
    %reduce_sum3A_33 = vector.shape_cast %get3A_32 : vector<32x16xf32> to vector<1x32x16xf32>
    %reduce_sum3A_34 = arith.constant dense<0.000000e+00> : vector<1xf32>
    %reduce_sum3A_35 = vector.multi_reduction <add>, %reduce_sum3A_33, %reduce_sum3A_34 [1, 2] : vector<1x32x16xf32> to vector<1xf32>
    %reduce_sum3A_36 = vector.shape_cast %reduce_sum3A_35 : vector<1xf32> to vector<1x1x1xf32>
    %reduce_sum3A_37 = vector.extract %reduce_sum3A_36[0, 0, 0] : f32 from vector<1x1x1xf32>
    %get3A_38 = arith.constant 0 : index
    %get3A_39 = arith.constant 4 : index
    %get3A_40 = arith.constant 0 : index
    %get3A_41 = vector.load %arg0[%get3A_38, %get3A_39, %get3A_40] : memref<32x5x16xf32, #tpu.memory_space<vmem>>, vector<32x1x16xf32>
    %get3A_42 = vector.shape_cast %get3A_41 : vector<32x1x16xf32> to vector<32x16xf32>
    %reduce_sum3A_43 = vector.shape_cast %get3A_42 : vector<32x16xf32> to vector<1x32x16xf32>
    %reduce_sum3A_44 = arith.constant dense<0.000000e+00> : vector<1xf32>
    %reduce_sum3A_45 = vector.multi_reduction <add>, %reduce_sum3A_43, %reduce_sum3A_44 [1, 2] : vector<1x32x16xf32> to vector<1xf32>
    %reduce_sum3A_46 = vector.shape_cast %reduce_sum3A_45 : vector<1xf32> to vector<1x1x1xf32>
    %reduce_sum3A_47 = vector.extract %reduce_sum3A_46[0, 0, 0] : f32 from vector<1x1x1xf32>
    %mul3A = arith.constant 4.096000e+03 : f32
    %mul3A_48 = arith.mulf %mul3A, %reduce_sum3A_7 : f32
    %mul3A_49 = arith.constant 2.000000e+00 : f32
    %mul3A_50 = arith.mulf %mul3A_49, %reduce_sum3A_17 : f32
    %mul3A_51 = arith.mulf %mul3A_50, %reduce_sum3A_37 : f32
    %add3A = arith.addf %mul3A_48, %mul3A_51 : f32
    %mul3A_52 = arith.mulf %reduce_sum3A_27, %reduce_sum3A_47 : f32
    %add3A_53 = arith.addf %add3A, %mul3A_52 : f32
    %div3A = arith.constant 0x4B800000 : f32
    %div3A_54 = arith.divf %add3A_53, %div3A : f32
    %broadcast_in_dim3A = vector.broadcast %div3A_54 : f32 to vector<1x1xf32>
    %swap3A = arith.constant 0 : index
    %swap3A_55 = arith.constant 0 : index
    %swap3A_56 = vector.load %arg1[%swap3A, %swap3A_55] : memref<1x1xf32, #tpu.memory_space<vmem>>, vector<1x1xf32>
    tpu.vector_store %arg1[%swap3A, %swap3A_55], %broadcast_in_dim3A {strides = array<i32>} : memref<1x1xf32, #tpu.memory_space<vmem>>, vector<1x1xf32>,
    return
  }
}

</mosaic_0001>

<sc_bundles>
// kernel: kernel.4.cloned.1.call-start
scs
__scs_entry_jumppad:
0x0: {  	(pc) =	sbr.rel $0x88, $3  }
0x1: {  	(tag) =	ssettag $0x0;
	lr =	simm.s32 $0x1  }
0x2: {  	[smem:$0x3F9A] =	sst lr;
	_ =	strace $0xD0000000  }
0x3: {  	_ = 	snop  }
0x4: {  	_ = 	snop  }
0x5: {  	_ = 	snop  }
0x6: {  	_ = 	snop  }
0x7: {  	_ = 	snop  }
__scs_overlays_trampoline_lowered:
0x8: {  	[smem:$0x3FA9] =	sst s0  }
0x9: {  	[smem:$0x3FAA] =	sst s1  }
0xa: {  	[smem:$0x3FAB] =	sst s2  }
0xb: {  	[smem:$0x3FAC] =	sst s3  }
0xc: {  	[smem:$0x3FAD] =	sst s4  }
0xd: {  	[smem:$0x3FAE] =	sst s5  }
0xe: {  	[smem:$0x3FAF] =	sst s6  }
0xf: {  	[smem:$0x3FB0] =	sst s7  }
0x10: {  	[smem:$0x3FB1] =	sst s8  }
0x11: {  	[smem:$0x3FB2] =	sst s9;
	s0 =	simm.s32 @!p0 $0x0  }
0x12: {  	s1 =	sld [smem:$0x3F98];
	s0 =	simm.s32 @p0 $0x1  }
0x13: {  	[smem:$0x3FB3] =	sst s0;
	s0 =	simm.s32 @!p1 $0x0  }
0x14: {  	s2 =	sld [smem:$0x3F97];
	s0 =	simm.s32 @p1 $0x1  }
0x15: {  	[smem:$0x3FB4] =	sst s0;
	s0 =	simm.s32 @!p2 $0x0  }
0x16: {  	s3 =	sld [smem:$0x3FDB];
	s0 =	simm.s32 @p2 $0x1  }
0x17: {  	s4 =	simm.s32 $0x1BF5;
	[smem:$0x3FB6] =	sst s0  }
0x18: {  	s0 =	sld [smem:$0x3F99];
	_ =	swait.ge [sflag:s4], $0x0  }
0x19: {  	s7 =	sld [smem:$0x3F9A]  }
0x1a: {  	s8 =	sadd.s32 $0xFFFFE003, lr  }
0x1b: {  	s9 =	sadd.s32 $0xFFFFFEF7, lr;
	s5 =	simm.s32 $0xFFFFFFFF;
	p2 =	slt.u32 s8, $0xFFFFF086  }
0x1c: {  	p1 =	slt.u32 s9, $0xF7A;
	s5 =	simm.s32 @!p2 $0x0  }
0x1d: {  	s5 =	simm.s32 @p1 $0x1;
	p0 =	seq.s32 s7, s2  }
0x1e: {  	s7 =	smul.u32 @!p0 $0xF7A, s2;
	p2 =	seq.s32 @!p0 s5, $0x0  }
0x1f: {  	s9 =	smul.u32 $0xF7A, s1;
	s8 =	simm.s32 @!p0 $0x1BF5;
	p2 =	por !p2, p0  }
0x20: {  	[sflag:s8] =	ssyncset.s32 @!p0 $0xFFFFF086;
	s6 =	sadd.s32 @!p0 s3, s7;
	s7 =	simm.s32 @!p0 $0x108  }
0x21: {  	s3 =	sadd.s32 s3, s9;
	s6 =	sadd.s32 @!p0 $0x88, s6;
	s7 =	simm.s32 @p2 $0x1082  }
0x22: {  	[simem:s7], [sflag:s8] =	dma.local @!p0 [hbm:s6], $0xF7A  }
0x23: {  	s9 =	sor.u32 $0xD0000000, s2;
	s6 =	simm.s32 $0x108;
	_ =	swait.ge @!p0 [sflag:s8], $0x0  }
0x24: {  	s3 =	sadd.s32 $0x88, s3;
	s6 =	simm.s32 @!p1 $0x1082;
	[sflag:s4] =	ssyncset.s32 $0xFFFFF086  }
0x25: {  	[simem:s6], [sflag:s4] =	dma.local [hbm:s3], $0xF7A  }
0x26: {  	[smem:$0x3F9A] =	sst s1;
	(tag) =	ssettag s2;
	_ =	strace s9  }
0x27: {  	s1 =	sld [smem:$0x3FAA]  }
0x28: {  	s2 =	sld [smem:$0x3FAB]  }
0x29: {  	s4 =	sld [smem:$0x3FAD]  }
0x2a: {  	p0 =	seq.s32 s5, $0x0;
	s5 =	sld [smem:$0x3FAE]  }
0x2b: {  	s6 =	sld [smem:$0x3FAF]  }
0x2c: {  	s7 =	sld [smem:$0x3FB0]  }
0x2d: {  	s3 =	simm.s32 $0x108;
	s8 =	sld [smem:$0x3FB1]  }
0x2e: {  	s3 =	simm.s32 @!p0 $0x1082;
	s9 =	sld [smem:$0x3FB2]  }
0x2f: {  	lr =	sadd.s32 s0, s3;
	s0 =	sld [smem:$0x3FA9]  }
0x30: {  	s3 =	sld [smem:$0x3FAC]  }
0x31: {  	[smem:$0x3FB5] =	sst s10  }
0x32: {  	s10 =	sld [smem:$0x3FB3];
	_ =	sdelay $0x3  }
0x33: {  	p0 =	seq.s32 s10, $0x1;
	s10 =	sld [smem:$0x3FB5];
	_ =	sdelay $0x3  }
0x34: {  	[smem:$0x3FB5] =	sst s10  }
0x35: {  	s10 =	sld [smem:$0x3FB4];
	_ =	sdelay $0x3  }
0x36: {  	p1 =	seq.s32 s10, $0x1;
	s10 =	sld [smem:$0x3FB5];
	_ =	sdelay $0x3  }
0x37: {  	[smem:$0x3FB5] =	sst s10  }
0x38: {  	s10 =	sld [smem:$0x3FB6]  }
0x39: {  	_ = 	snop;
	(pc) =	sbr.ind lr, $3  }
0x3a: {  	_ = 	snop  }
0x3b: {  	_ = 	snop  }
0x3c: {  	p2 =	seq.s32 s10, $0x1;
	s10 =	sld [smem:$0x3FB5]  }
0x3d: {  	_ =	shalt  }
0x3e: {  	_ =	shalt  }
0x3f: {  	_ =	shalt  }
0x40: {  	_ =	shalt  }
0x41: {  	_ =	shalt  }
0x42: {  	_ =	shalt  }
0x43: {  	_ =	shalt  }
0x44: {  	_ =	shalt  }
0x45: {  	_ =	shalt  }
0x46: {  	_ =	shalt  }
0x47: {  	_ =	shalt  }
0x48: {  	_ =	shalt  }
0x49: {  	_ =	shalt  }
0x4a: {  	_ =	shalt  }
0x4b: {  	_ =	shalt  }
0x4c: {  	_ =	shalt  }
0x4d: {  	_ =	shalt  }
0x4e: {  	_ =	shalt  }
0x4f: {  	_ =	shalt  }
0x50: {  	_ =	shalt  }
0x51: {  	_ =	shalt  }
0x52: {  	_ =	shalt  }
0x53: {  	_ =	shalt  }
0x54: {  	_ =	shalt  }
0x55: {  	_ =	shalt  }
0x56: {  	_ =	shalt  }
0x57: {  	_ =	shalt  }
0x58: {  	_ =	shalt  }
0x59: {  	_ =	shalt  }
0x5a: {  	_ =	shalt  }
0x5b: {  	_ =	shalt  }
0x5c: {  	_ =	shalt  }
0x5d: {  	_ =	shalt  }
0x5e: {  	_ =	shalt  }
0x5f: {  	_ =	shalt  }
0x60: {  	_ =	shalt  }
0x61: {  	_ =	shalt  }
0x62: {  	_ =	shalt  }
0x63: {  	_ =	shalt  }
0x64: {  	_ =	shalt  }
0x65: {  	_ =	shalt  }
0x66: {  	_ =	shalt  }
0x67: {  	_ =	shalt  }
0x68: {  	_ =	shalt  }
0x69: {  	_ =	shalt  }
0x6a: {  	_ =	shalt  }
0x6b: {  	_ =	shalt  }
0x6c: {  	_ =	shalt  }
0x6d: {  	_ =	shalt  }
0x6e: {  	_ =	shalt  }
0x6f: {  	_ =	shalt  }
0x70: {  	_ =	shalt  }
0x71: {  	_ =	shalt  }
0x72: {  	_ =	shalt  }
0x73: {  	_ =	shalt  }
0x74: {  	_ =	shalt  }
0x75: {  	_ =	shalt  }
0x76: {  	_ =	shalt  }
0x77: {  	_ =	shalt  }
0x78: {  	_ =	shalt  }
0x79: {  	_ =	shalt  }
0x7a: {  	_ =	shalt  }
0x7b: {  	_ =	shalt  }
0x7c: {  	_ =	shalt  }
0x7d: {  	_ =	shalt  }
0x7e: {  	_ =	shalt  }
0x7f: {  	_ =	shalt  }
0x80: {  	_ =	shalt  }
0x81: {  	_ =	shalt  }
0x82: {  	_ =	shalt  }
0x83: {  	_ =	shalt  }
0x84: {  	_ =	shalt  }
0x85: {  	_ =	shalt  }
0x86: {  	_ =	shalt  }
0x87: {  	_ =	shalt  }
.Lfunc_end0:
.L_simem_size_0:
called_computation_lowered:
.L_overlay_start_0:
0x88: {  	s2 =	sld [smem:$0x3FD9]  }
0x89: {  	s3 =	sld [smem:$0x3FFE];
	_ =	sdelay $0x1  }
0x8a: {  	s1 =	srdreg.scid  }
0x8b: {  	s0 =	sand.u32 $0x1, s1  }
0x8c: {  	s17 =	sshll.u32 s0, $0xA;
	s2 =	sadd.s32 s3, s2  }
0x8d: {  	s2 =	sadd.s32 s2, s17  }
0x8e: {  	[smem:$0x3FC1] =	sst s2  }
0x8f: {  	_ = 	snop  }
0x90: {  	s2 =	sld [smem:$0x3FC9]  }
0x91: {  	s18 =	sld [smem:$0x3FC8]  }
0x92: {  	s4 =	sld [smem:$0x3FC7]  }
0x93: {  	s5 =	sld [smem:$0x3FC6]  }
0x94: {  	s6 =	sld [smem:$0x3FC5];
	(tm) =	ssettm $0x1  }
0x95: {  	s7 =	sld [smem:$0x3FFB];
	_ =	sdelay $0x3  }
0x96: {  	_ =	strace s7  }
0x97: {  	s7 =	sld [smem:$0x3FFC];
	_ =	sdelay $0x3  }
0x98: {  	_ =	strace s7  }
0x99: {  	s7 =	sld [smem:$0x3FFD];
	_ =	sdelay $0x3  }
0x9a: {  	_ =	strace s7  }
0x9b: {  	_ =	strace $0x8FFFFFFF  }
0x9c: {  	s19 =	sld [smem:$0x3FDB];
	_ =	sdelay $0x1  }
0x9d: {  	s8 =	simm.s32 $_scs_section_size  }
0x9e: {  	s9 =	simm.s32 $_size__tile_overlayer_lowered;
	s10 =	simm.s32 $_tile_overlayer_lowered  }
0x9f: {  	s22 =	simm.s32 $0x1BFF;
	s21 =	sshll.u32 s10, $0x1;
	s7 =	sadd.s32 s8, s19  }
0xa0: {  	s11 =	simm.s32 $0x0;
	s20 =	sshll.u32 s9, $0x1;
	s9 =	sadd.s32 s21, s7  }
0xa1: {  	[timem:s11], [sflag:s22] =	dma.local [hbm:s9], s20  }
0xa2: {  	_ =	swait.ge [sflag:s22], s20  }
0xa3: {  	s8 =	ssub.s32 $0x0, s20;
	[sflag:s22] =	ssyncset.done $0x0  }
0xa4: {  	[sflag:s22] =	ssyncadd.s32 s8;
	_ =	sdelay $0x1  }
0xa5: {  	s23 =	simm.s32 $0x1B8B  }
0xa6: {  	_ =	swait.ge [sflag:s23], $0x1  }
0xa7: {  	[sflag:s23] =	ssyncset.done $0x0  }
0xa8: {  	s25 =	simm.s32 $0x1B8E;
	s24 =	sld [smem:$0x3FFE];
	[sflag:s23] =	ssyncadd.s32 $0xFFFFFFFF  }
0xa9: {  	s26 =	simm.s32 $execute0_lowered;
	[smem:$0x3FD2] =	sst s25  }
0xaa: {  	s9 =	sshll.u32 s26, $0x1;
	_ =	strace $0x80000046;
	[dreg:$0x1] =	wrdreg $0xFFFFFFFF  }
0xab: {  	s28 =	simm.s32 $_size_execute0_lowered;
	s7 =	sadd.s32 s7, s9;
	[dreg:$0x0] =	wrdreg $0x0  }
0xac: {  	s9 =	sshll.u32 s28, $0x1;
	[dreg:$0x2] =	wrdreg s7  }
0xad: {  	[dreg:$0x3] =	wrdreg s9  }
0xae: {  	[dreg:$0x4] =	wrdreg $0xC0  }
0xaf: {  	_ =	task [dreg:s11], $0x5FFFF  }
0xb0: {  	[dreg:$0x1] =	wrdreg $0xFFFFFFFF  }
0xb1: {  	[dreg:$0x0] =	wrdreg $0x60  }
0xb2: {  	[dreg:$0x2] =	wrdreg s2  }
0xb3: {  	[dreg:$0x3] =	wrdreg s18  }
0xb4: {  	[dreg:$0x4] =	wrdreg s4  }
0xb5: {  	[dreg:$0x5] =	wrdreg s5  }
0xb6: {  	[dreg:$0x6] =	wrdreg s6  }
0xb7: {  	[dreg:$0x7] =	wrdreg s24  }
0xb8: {  	[dreg:$0x8] =	wrdreg $0x9  }
0xb9: {  	_ =	task.clear_ibuf [dreg:s11], $0x9FFFF;
	_ =	strace $0x90000046  }
0xba: {  	s29 =	simm.s32 $0x9;
	_ =	strace $0x80000048  }
0xbb: {  	_ =	swait.ge [sflag:s29], $0x1  }
0xbc: {  	[sflag:s29] =	ssyncadd.s32 $0xFFFFFFFF  }
0xbd: {  	_ =	strace $0x90000048  }
0xbe: {  	_ =	sfence  }
0xbf: {  	s30 =	sld [smem:$0x0];
	_ =	sdelay $0x2  }
0xc0: {  	s31 =	sshll.u32 s1, $0xD;
	s1 =	sshrl.u32 s1, $0x2  }
0xc1: {  	s3 =	sand.u32 $0x4000, s31;
	s1 =	sadd.s32 s1, s30  }
0xc2: {  	s0 =	sor.u32 s3, s0;
	s1 =	sshll.u32 s1, $0x11  }
0xc3: {  	s0 =	sor.u32 s1, s0  }
0xc4: {  	s0 =	sadd.s32 $0x8F2B, s0  }
0xc5: {  	[sflag:s0] =	ssyncadd.remote.s32 $0x1  }
0xc6: {  	_ =	sfence.sel $0xFFFF  }
0xc7: {  	[dreg:$0x0] =	wrdreg $0xFFFFFFFF;
	(pc) =	sbr.abs _section_cstart, $3  }
0xc8: {  	[dreg:$0x1] =	wrdreg $0xFFFFFFFF  }
0xc9: {  	_ =	task.clear_ibuf [dreg:s11], $0x2FFFF;
	_ =	strace $0x9FFFFFFF  }
0xca: {  	(tm) =	ssettm $0x7FFFFFFF  }
0xcb: {  	_ =	shalt  }
tec
execute0_lowered:
.L_overlay_start_1:
0x0: {  	(tag) =	ssettag $0x1  }
0x1: {  	s0 =	rddreg [dreg:$0x0]  }
0x2: {  	s2 =	rddreg [dreg:$0x1]  }
0x3: {  	s8 =	rddreg [dreg:$0x2]  }
0x4: {  	s1 =	rddreg [dreg:$0x3]  }
0x5: {  	s3 =	rddreg [dreg:$0x4]  }
0x6: {  	s4 =	rddreg [dreg:$0x5]  }
0x7: {  	s6 =	srdreg.scid;
	s7 =	stileid.u32  }
0x8: {  	s5 =	simm.s32 $0x0;
	s13 =	simm.s32 $0x1;
	s14 =	simm.s32 $0x40  }
0x9: {  	s15 =	simm.s32 $0x300;
	s17 =	simm.s32 $0x2;
	s18 =	simm.s32 $0x4300  }
0xa: {  	s19 =	simm.s32 $0x2300;
	s20 =	simm.s32 $0xC0;
	s21 =	simm.s32 $0x6300  }
0xb: {  	s22 =	simm.s32 $0x100;
	s23 =	simm.s32 $0x280;
	s24 =	simm.s32 $0x3  }
0xc: {  	s25 =	simm.s32 $0x4;
	s26 =	simm.s32 $0x5;
	s28 =	simm.s32 $0x6  }
0xd: {  	s29 =	simm.s32 $0x7;
	s30 =	simm.s32 $0x8300;
	s31 =	simm.s32 $0x8  }
0xe: {  	s6 =	sand.u32 $0x1, s6;
	s7 =	sshll.u32 s7, $0x1;
	[smem:$0x7FF] =	sst s5  }
0xf: {  	s7 =	sor.u32 s6, s7;
	_ =	strace $0x80000047;
	s6 =	ssub.s32 $0x2, s6  }
0x10: {  	s9 =	sshll.u32 s7, $0x7;
	s10 =	sshrl.u32 s6, $0x1;
	s11 =	sshll.u32 s7, $0x4  }
0x11: {  	s9 =	sadd.s32 s9, s4;
	s10 =	ssub.s32 s6, s10;
	s6 =	sadd.s32 s0, s11  }
0x12: {  	s7 =	sadd.s32 s2, s11;
	s8 =	sadd.s32 s8, s11;
	s11 =	simm.s32 $0x80  }
0x13: {  	v0 =	vimm.s32 $0xFFFFFF81;
	s0 =	simm.s32 $0x0;
	s9 =	sadd.s32 $0x6200, s9;
	s10 =	smax.u32 s10, $0x1  }
.LBB2_1:
0x14: {  	[tilespmem:s5], [sflag:$0x1] =	stream.linear.gather [hbm4b:s6+s5], $0x80, $0x38;
	[tilespmem:$0x8700] =	vst v63  }
0x15: {  	_ = 	snop  }
0x16: {  	[tilespmem:s11], [sflag:$0x2] =	stream.linear.gather [hbm4b:s7+s5], $0x80, $0x38;
	[tilespmem:$0x8700] =	vst v63  }
0x17: {  	s2 =	simm.s32 $0x180  }
0x18: {  	[tilespmem:s2], [sflag:$0x3] =	stream.linear.gather [hbm4b:s8+s5], $0x80, $0x38;
	[tilespmem:$0x8700] =	vst v63  }
0x19: {  	_ =	swait.ge [sflag:s13], $0x80  }
0x1a: {  	[sflag:s13] =	ssyncset.done $0x0  }
0x1b: {  	[sflag:s13] =	ssyncadd.s32 $0xFFFFFF80  }
0x1c: {  	[tilespmem:s15], [sflag:$0x6] =	stream.indirect.gather [hbm4b:s1+s14], $0x80, s5, s14, $0xb8;
	[tilespmem:$0x8700] =	vst v63  }
0x1d: {  	s16 =	simm.s32 $0x200  }
0x1e: {  	[tilespmem:s16], [sflag:$0x4] =	stream.indirect.gather [hbm4b:s4+s11], $0x1, s5, s11, $0xb8;
	[tilespmem:$0x8700] =	vst v63  }
0x1f: {  	_ =	swait.ge [sflag:s17], $0x80  }
0x20: {  	[sflag:s17] =	ssyncset.done $0x0  }
0x21: {  	[sflag:s17] =	ssyncadd.s32 $0xFFFFFF80  }
0x22: {  	[tilespmem:s18], [sflag:$0x6] =	stream.indirect.gather [hbm4b:s3+s14], $0x80, s11, s14, $0xb8;
	[tilespmem:$0x8700] =	vst v63  }
0x23: {  	_ = 	snop  }
0x24: {  	[tilespmem:s19], [sflag:$0x7] =	stream.indirect.gather [hbm4b:s1+s14], $0x80, s14, s14, $0xb8;
	[tilespmem:$0x8700] =	vst v63  }
0x25: {  	_ = 	snop  }
0x26: {  	[tilespmem:s21], [sflag:$0x7] =	stream.indirect.gather [hbm4b:s3+s14], $0x80, s20, s14, $0xb8;
	[tilespmem:$0x8700] =	vst v63  }
0x27: {  	v1 =	vld [tilespmem:$0x80]  }
0x28: {  	v2 =	vld [tilespmem:$0x90]  }
0x29: {  	v3 =	vld [tilespmem:$0xA0]  }
0x2a: {  	v4 =	vld [tilespmem:$0xB0]  }
0x2b: {  	v5 =	vld [tilespmem:$0xC0]  }
0x2c: {  	v6 =	vld [tilespmem:$0xD0];
	v1 =	vadd.s32 $0x186A0, v1  }
0x2d: {  	[tilespmem:$0x100] =	vst v1;
	v1 =	vadd.s32 $0x186A0, v2;
	v2 =	vld [tilespmem:$0xE0]  }
0x2e: {  	[tilespmem:$0x110] =	vst v1;
	v1 =	vadd.s32 $0x186A0, v3;
	v3 =	vld [tilespmem:$0xF0]  }
0x2f: {  	[tilespmem:$0x120] =	vst v1;
	v1 =	vadd.s32 $0x186A0, v4  }
0x30: {  	[tilespmem:$0x130] =	vst v1;
	v1 =	vadd.s32 $0x186A0, v5  }
0x31: {  	[tilespmem:$0x140] =	vst v1;
	v1 =	vadd.s32 $0x186A0, v6  }
0x32: {  	[tilespmem:$0x150] =	vst v1;
	v1 =	vadd.s32 $0x186A0, v2  }
0x33: {  	[tilespmem:$0x160] =	vst v1;
	v1 =	vadd.s32 $0x186A0, v3  }
0x34: {  	[tilespmem:$0x170] =	vst v1  }
0x35: {  	[tilespmem:s23], [sflag:$0x5] =	stream.indirect.gather [hbm4b:s4+s11], $0x1, s22, s11, $0xb8;
	[tilespmem:$0x8700] =	vst v63  }
0x36: {  	_ =	swait.ge [sflag:s24], $0x80  }
0x37: {  	[sflag:s24] =	ssyncset.done $0x0  }
0x38: {  	[sflag:s24] =	ssyncadd.s32 $0xFFFFFF80  }
0x39: {  	_ =	swait.ge [sflag:s25], $0x80  }
0x3a: {  	[sflag:s25] =	ssyncset.done $0x0  }
0x3b: {  	[sflag:s25] =	ssyncadd.s32 $0xFFFFFF80  }
0x3c: {  	_ =	swait.ge [sflag:s26], $0x80  }
0x3d: {  	[sflag:s26] =	ssyncset.done $0x0  }
0x3e: {  	[sflag:s26] =	ssyncadd.s32 $0xFFFFFF80  }
0x3f: {  	_ =	swait.ge [sflag:s28], $0x2000  }
0x40: {  	[sflag:s28] =	ssyncset.done $0x0  }
0x41: {  	[sflag:s28] =	ssyncadd.s32 $0xFFFFE000  }
0x42: {  	_ =	swait.ge [sflag:s28], $0x2000  }
0x43: {  	v4 =	vimm.f32 $0.0e+00;
	v5 =	vimm.f32 $0.0e+00;
	v6 =	vimm.f32 $0.0e+00;
	[sflag:s28] =	ssyncset.done $0x0  }
0x44: {  	s2 =	simm.s32 $0x0;
	v2 =	vimm.f32 $0.0e+00;
	v3 =	vimm.f32 $0.0e+00;
	v1 =	vimm.f32 $0.0e+00;
	[sflag:s28] =	ssyncadd.s32 $0xFFFFE000  }
.LBB2_2:
0x45: {  	s12 =	sshll.u32 s2, $0x4;
	v11 =	vlaneseq.u32  }
0x46: {  	v7 =	vmov s12;
	v8 =	vmul.u32 $0x80, v11  }
0x47: {  	v7 =	vshll.u32 v7, $0x7  }
0x48: {  	v7 =	vor.u32 v8, v7  }
0x49: {  	v9 =	vadd.s32 $0x1, v11;
	v8 =	vor.u32 v7, v11  }
0x4a: {  	v9 =	vand.u32 $0x7F, v9  }
0x4b: {  	v10 =	vadd.s32 $0x2, v11;
	v9 =	vor.u32 v7, v9  }
0x4c: {  	v10 =	vand.u32 $0x7F, v10  }
0x4d: {  	v12 =	vadd.s32 $0x3, v11;
	v10 =	vor.u32 v7, v10  }
0x4e: {  	v12 =	vand.u32 $0x7F, v12;
	v14 =	vld.idx.msk [tilespmem:v8+s15+$0x0], $0xffff  }
0x4f: {  	v15 =	vor.u32 v7, v12;
	v16 =	vld.idx.msk [tilespmem:v8+s18+$0x0], $0xffff;
	v8 =	vadd.s32 $0x4, v11  }
0x50: {  	v17 =	vld.idx.msk [tilespmem:v9+s15+$0x0], $0xffff;
	v8 =	vand.u32 $0x7F, v8  }
0x51: {  	v18 =	vld.idx.msk [tilespmem:v9+s18+$0x0], $0xffff;
	v9 =	vadd.s32 $0x5, v11;
	v20 =	vor.u32 v7, v8  }
0x52: {  	v13 =	vld.idx.msk [tilespmem:v10+s18+$0x0], $0xffff;
	v9 =	vand.u32 $0x7F, v9  }
0x53: {  	v8 =	vld.idx.msk [tilespmem:v10+s15+$0x0], $0xffff;
	v12 =	vor.u32 v7, v9;
	v10 =	vadd.s32 $0x6, v11  }
0x54: {  	v9 =	vld.idx.msk [tilespmem:v15+s15+$0x0], $0xffff;
	v10 =	vand.u32 $0x7F, v10  }
0x55: {  	v15 =	vld.idx.msk [tilespmem:v15+s18+$0x0], $0xffff;
	v21 =	vmul.f32 v16, v14;
	v14 =	vor.u32 v7, v10;
	v16 =	vadd.s32 $0x7, v11  }
0x56: {  	v22 =	vand.u32 $0x7F, v16;
	v10 =	vld.idx.msk [tilespmem:v20+s15+$0x0], $0xffff  }
0x57: {  	v19 =	vmul.f32 v18, v17;
	v18 =	vadd.s32 $0x8, v11;
	v16 =	vld.idx.msk [tilespmem:v20+s18+$0x0], $0xffff;
	v17 =	vor.u32 v7, v22  }
0x58: {  	s16 =	simm.s32 $0x0;
	v18 =	vand.u32 $0x7F, v18;
	v20 =	vadd.f32 v21, v6;
	v11 =	vld.idx.msk [tilespmem:v12+s15+$0x0], $0xffff  }
.LBB2_3:
0x59: {  	v21 =	vor.u32 v7, v18;
	v22 =	vadd.s32 $0x1, v18;
	s16 =	sadd.s32 $0x8, s16;
	v8 =	vmul.f32 v13, v8;
	v12 =	vld.idx.msk [tilespmem:v12+s18+$0x0], $0xffff  }
0x5a: {  	v13 =	vand.u32 $0x7F, v22;
	v22 =	vadd.s32 $0x2, v18;
	p0 =	slt.u32 s16, $0x78;
	v19 =	vadd.f32 v19, v20;
	v20 =	vld.idx.msk [tilespmem:v14+s15+$0x0], $0xffff  }
0x5b: {  	v9 =	vmul.f32 v15, v9;
	v13 =	vor.u32 v7, v13;
	v14 =	vld.idx.msk [tilespmem:v14+s18+$0x0], $0xffff  }
0x5c: {  	v15 =	vand.u32 $0x7F, v22;
	v8 =	vadd.f32 v8, v19;
	v19 =	vld.idx.msk [tilespmem:v17+s15+$0x0], $0xffff  }
0x5d: {  	v22 =	vadd.s32 $0x3, v18;
	v15 =	vor.u32 v7, v15;
	v10 =	vmul.f32 v16, v10;
	v16 =	vld.idx.msk [tilespmem:v17+s18+$0x0], $0xffff  }
0x5e: {  	v22 =	vand.u32 $0x7F, v22;
	v17 =	vld.idx.msk [tilespmem:v21+s15+$0x0], $0xffff;
	v8 =	vadd.f32 v9, v8  }
0x5f: {  	v22 =	vor.u32 v7, v22;
	v9 =	vadd.s32 $0x4, v18;
	v11 =	vmul.f32 v12, v11;
	v21 =	vld.idx.msk [tilespmem:v21+s18+$0x0], $0xffff  }
0x60: {  	v9 =	vand.u32 $0x7F, v9;
	v23 =	vld.idx.msk [tilespmem:v13+s15+$0x0], $0xffff;
	v10 =	vadd.f32 v10, v8  }
0x61: {  	v25 =	vor.u32 v7, v9;
	v9 =	vadd.s32 $0x5, v18;
	v14 =	vmul.f32 v14, v20;
	v24 =	vld.idx.msk [tilespmem:v13+s18+$0x0], $0xffff  }
0x62: {  	v9 =	vand.u32 $0x7F, v9;
	v8 =	vld.idx.msk [tilespmem:v15+s15+$0x0], $0xffff;
	v10 =	vadd.f32 v11, v10  }
0x63: {  	v12 =	vor.u32 v7, v9;
	v11 =	vadd.s32 $0x6, v18;
	v16 =	vmul.f32 v16, v19;
	v13 =	vld.idx.msk [tilespmem:v15+s18+$0x0], $0xffff  }
.Ltmp0:
0x64: {  	v11 =	vand.u32 $0x7F, v11;
	v9 =	vld.idx.msk [tilespmem:v22+s15+$0x0], $0xffff;
	v19 =	vadd.f32 v14, v10;
	(pc) =	sbr.rel @p0 .LBB2_3-.Ltmp0, $4  }
0x65: {  	v20 =	vmul.f32 v21, v17;
	v14 =	vor.u32 v7, v11;
	v11 =	vadd.s32 $0x7, v18;
	v15 =	vld.idx.msk [tilespmem:v22+s18+$0x0], $0xffff  }
0x66: {  	v11 =	vand.u32 $0x7F, v11;
	v10 =	vld.idx.msk [tilespmem:v25+s15+$0x0], $0xffff;
	v21 =	vadd.f32 v16, v19  }
0x67: {  	v18 =	vadd.s32 $0x8, v18;
	v19 =	vmul.f32 v24, v23;
	v17 =	vor.u32 v7, v11;
	v16 =	vld.idx.msk [tilespmem:v25+s18+$0x0], $0xffff  }
0x68: {  	v18 =	vand.u32 $0x7F, v18;
	v20 =	vadd.f32 v20, v21;
	v11 =	vld.idx.msk [tilespmem:v12+s15+$0x0], $0xffff  }
0x69: {  	v7 =	vld [tilespmem:s12+$0x180];
	_ =	sdelay $0x4  }
0x6a: {  	v18 =	vand.u32 $0x7FFFFF, v7  }
0x6b: {  	v18 =	vor.u32 $0x3F800000, v18  }
0x6c: {  	v21 =	vmul.f32 $5.000000000e-01, v18  }
0x6d: {  	vm0 =	vgt.f32 v18, $1.414213540e+00  }
0x6e: {  	v18 =	vsel vm0, v21, v18  }
0x6f: {  	v21 =	vadd.f32 $1.000000000e+00, v18;
	_ =	sdelay $0x1  }
0x70: {  	(erf) = vrcp.f32 v21;
	_ =	sdelay $0x7  }
0x71: {  	v18 =	vadd.f32 $-1.000000000e+00, v18  }
0x72: {  	v21 =	vpop (erf)  }
0x73: {  	v18 =	vmul.f32 v21, v18;
	_ =	sdelay $0x1  }
0x74: {  	v21 =	vmul.f32 v18, v18;
	_ =	sdelay $0x1  }
0x75: {  	v22 =	vmul.f32 $2.222222240e-01, v21;
	_ =	sdelay $0x1  }
0x76: {  	v22 =	vadd.f32 $2.857142980e-01, v22;
	_ =	sdelay $0x1  }
0x77: {  	v22 =	vmul.f32 v22, v21;
	_ =	sdelay $0x1  }
0x78: {  	v22 =	vadd.f32 $4.000000060e-01, v22;
	_ =	sdelay $0x1  }
0x79: {  	v22 =	vmul.f32 v22, v21;
	_ =	sdelay $0x1  }
0x7a: {  	v22 =	vadd.f32 $6.666666860e-01, v22;
	_ =	sdelay $0x1  }
0x7b: {  	v7 =	vshrl.u32 v7, $0x17;
	v53 =	vsel vm0, $0xFFFFFF82, v0;
	v21 =	vmul.f32 v22, v21  }
0x7c: {  	v7 =	vadd.s32 v7, v53  }
0x7d: {  	v7 =	vcvt.s32.f32 v7;
	v21 =	vadd.f32 $2.000000000e+00, v21;
	_ =	sdelay $0x1  }
0x7e: {  	v7 =	vmul.f32 $6.931471820e-01, v7;
	v18 =	vmul.f32 v21, v18;
	_ =	sdelay $0x1  }
0x7f: {  	v7 =	vadd.f32 v18, v7;
	_ =	sdelay $0x1  }
0x80: {  	v18 =	vadd.f32 $-4.605170250e+00, v7  }
0x81: {  	v8 =	vmul.f32 v13, v8;
	v54 =	vadd.f32 v19, v20  }
0x82: {  	v12 =	vld.idx.msk [tilespmem:v12+s18+$0x0], $0xffff;
	v18 =	vmul.f32 $7.500000000e-01, v18  }
0x83: {  	v55 =	vld.idx.msk [tilespmem:v14+s15+$0x0], $0xffff;
	v9 =	vmul.f32 v15, v9;
	v8 =	vadd.f32 v8, v54  }
0x84: {  	v56 =	vld.idx.msk [tilespmem:v14+s18+$0x0], $0xffff;
	v57 =	vmul.f32 $1.442695020e+00, v18  }
0x85: {  	v58 =	vld.idx.msk [tilespmem:v17+s15+$0x0], $0xffff;
	v10 =	vmul.f32 v16, v10;
	v8 =	vadd.f32 v9, v8  }
0x86: {  	v59 =	vld.idx.msk [tilespmem:v17+s18+$0x0], $0xffff;
	(erf) = vpow2.f32 v57  }
0x87: {  	v11 =	vmul.f32 v12, v11;
	v8 =	vadd.f32 v10, v8;
	_ =	sdelay $0x1  }
0x88: {  	v60 =	vmul.f32 v56, v55;
	v8 =	vadd.f32 v11, v8;
	_ =	sdelay $0x1  }
0x89: {  	v9 =	vmul.f32 v59, v58;
	v8 =	vadd.f32 v60, v8;
	_ =	sdelay $0x1  }
0x8a: {  	v61 =	vld [tilespmem:s12+$0x200];
	v8 =	vadd.f32 v9, v8  }
0x8b: {  	v62 =	vld [tilespmem:s12+$0x280]  }
0x8c: {  	v7 =	vadd.f32 v7, v8;
	v63 =	vpop (erf)  }
0x8d: {  	v8 =	vmin.f32 v63, $1.000000000e+00  }
0x8e: {  	s2 =	sadd.s32 $0x1, s2;
	v11 =	vmul.f32 v8, v7  }
0x8f: {  	p0 =	sne.s32 s2, $0x4  }
.Ltmp1:
0x90: {  	v9 =	vadd.f32 v62, v61;
	v7 =	vmul.f32 v11, v7;
	(pc) =	sbr.rel @p0 .LBB2_2-.Ltmp1, $4  }
0x91: {  	_ = 	snop  }
0x92: {  	v5 =	vadd.f32 v7, v5;
	v7 =	vmul.f32 v9, v9  }
0x93: {  	v2 =	vadd.f32 v9, v2;
	v3 =	vadd.f32 v8, v3  }
0x94: {  	v4 =	vadd.f32 v11, v4;
	v1 =	vadd.f32 v7, v1  }
0x95: {  	_ =	swait.ge [sflag:s29], $0x2000  }
0x96: {  	[sflag:s29] =	ssyncset.done $0x0  }
0x97: {  	[sflag:s29] =	ssyncadd.s32 $0xFFFFE000  }
0x98: {  	_ =	swait.ge [sflag:s29], $0x2000  }
0x99: {  	[sflag:s29] =	ssyncset.done $0x0  }
0x9a: {  	s2 =	simm.s32 $0x4;
	[sflag:s29] =	ssyncadd.s32 $0xFFFFE000  }
.LBB2_6:
0x9b: {  	s12 =	sshll.u32 s2, $0x4;
	v11 =	vlaneseq.u32  }
0x9c: {  	v6 =	vmov s12;
	v7 =	vmul.u32 $0x80, v11  }
0x9d: {  	v6 =	vshll.u32 v6, $0x7  }
0x9e: {  	v6 =	vor.u32 v7, v6  }
0x9f: {  	v8 =	vadd.s32 $0x1, v11;
	v7 =	vor.u32 v6, v11  }
0xa0: {  	v8 =	vand.u32 $0x7F, v8  }
0xa1: {  	v9 =	vadd.s32 $0x2, v11;
	v8 =	vor.u32 v6, v8  }
0xa2: {  	v9 =	vand.u32 $0x7F, v9  }
0xa3: {  	v10 =	vadd.s32 $0x3, v11;
	v9 =	vor.u32 v6, v9  }
0xa4: {  	v10 =	vand.u32 $0x7F, v10;
	v13 =	vld.idx.msk [tilespmem:v7+s15+$0x0], $0xffff  }
0xa5: {  	v14 =	vor.u32 v6, v10;
	v15 =	vld.idx.msk [tilespmem:v7+s18+$0x0], $0xffff;
	v7 =	vadd.s32 $0x4, v11  }
0xa6: {  	v16 =	vld.idx.msk [tilespmem:v8+s15+$0x0], $0xffff;
	v7 =	vand.u32 $0x7F, v7  }
0xa7: {  	v17 =	vld.idx.msk [tilespmem:v8+s18+$0x0], $0xffff;
	v8 =	vadd.s32 $0x5, v11;
	v19 =	vor.u32 v6, v7  }
0xa8: {  	v12 =	vld.idx.msk [tilespmem:v9+s18+$0x0], $0xffff;
	v8 =	vand.u32 $0x7F, v8  }
0xa9: {  	v7 =	vld.idx.msk [tilespmem:v9+s15+$0x0], $0xffff;
	v10 =	vor.u32 v6, v8;
	v9 =	vadd.s32 $0x6, v11  }
0xaa: {  	v8 =	vld.idx.msk [tilespmem:v14+s15+$0x0], $0xffff;
	v9 =	vand.u32 $0x7F, v9  }
0xab: {  	v14 =	vld.idx.msk [tilespmem:v14+s18+$0x0], $0xffff;
	v21 =	vmul.f32 v15, v13;
	v13 =	vor.u32 v6, v9;
	v15 =	vadd.s32 $0x7, v11  }
0xac: {  	v20 =	vimm.f32 $0.0e+00;
	v22 =	vand.u32 $0x7F, v15;
	v9 =	vld.idx.msk [tilespmem:v19+s15+$0x0], $0xffff  }
0xad: {  	v18 =	vmul.f32 v17, v16;
	v17 =	vadd.s32 $0x8, v11;
	v15 =	vld.idx.msk [tilespmem:v19+s18+$0x0], $0xffff;
	v16 =	vor.u32 v6, v22  }
0xae: {  	s16 =	simm.s32 $0x0;
	v17 =	vand.u32 $0x7F, v17;
	v19 =	vadd.f32 v21, v20;
	v11 =	vld.idx.msk [tilespmem:v10+s15+$0x0], $0xffff  }
.LBB2_7:
0xaf: {  	v20 =	vor.u32 v6, v17;
	v21 =	vadd.s32 $0x1, v17;
	s16 =	sadd.s32 $0x8, s16;
	v7 =	vmul.f32 v12, v7;
	v10 =	vld.idx.msk [tilespmem:v10+s18+$0x0], $0xffff  }
0xb0: {  	v12 =	vand.u32 $0x7F, v21;
	v21 =	vadd.s32 $0x2, v17;
	p0 =	slt.u32 s16, $0x78;
	v18 =	vadd.f32 v18, v19;
	v19 =	vld.idx.msk [tilespmem:v13+s15+$0x0], $0xffff  }
0xb1: {  	v8 =	vmul.f32 v14, v8;
	v12 =	vor.u32 v6, v12;
	v13 =	vld.idx.msk [tilespmem:v13+s18+$0x0], $0xffff  }
0xb2: {  	v14 =	vand.u32 $0x7F, v21;
	v7 =	vadd.f32 v7, v18;
	v18 =	vld.idx.msk [tilespmem:v16+s15+$0x0], $0xffff  }
0xb3: {  	v21 =	vadd.s32 $0x3, v17;
	v14 =	vor.u32 v6, v14;
	v9 =	vmul.f32 v15, v9;
	v15 =	vld.idx.msk [tilespmem:v16+s18+$0x0], $0xffff  }
0xb4: {  	v21 =	vand.u32 $0x7F, v21;
	v16 =	vld.idx.msk [tilespmem:v20+s15+$0x0], $0xffff;
	v7 =	vadd.f32 v8, v7  }
0xb5: {  	v21 =	vor.u32 v6, v21;
	v8 =	vadd.s32 $0x4, v17;
	v10 =	vmul.f32 v10, v11;
	v20 =	vld.idx.msk [tilespmem:v20+s18+$0x0], $0xffff  }
0xb6: {  	v8 =	vand.u32 $0x7F, v8;
	v11 =	vld.idx.msk [tilespmem:v12+s15+$0x0], $0xffff;
	v9 =	vadd.f32 v9, v7  }
0xb7: {  	v23 =	vor.u32 v6, v8;
	v8 =	vadd.s32 $0x5, v17;
	v13 =	vmul.f32 v13, v19;
	v22 =	vld.idx.msk [tilespmem:v12+s18+$0x0], $0xffff  }
0xb8: {  	v8 =	vand.u32 $0x7F, v8;
	v7 =	vld.idx.msk [tilespmem:v14+s15+$0x0], $0xffff;
	v9 =	vadd.f32 v10, v9  }
0xb9: {  	v10 =	vor.u32 v6, v8;
	v15 =	vmul.f32 v15, v18;
	v12 =	vld.idx.msk [tilespmem:v14+s18+$0x0], $0xffff;
	v14 =	vadd.s32 $0x6, v17  }
.Ltmp2:
0xba: {  	v8 =	vld.idx.msk [tilespmem:v21+s15+$0x0], $0xffff;
	v18 =	vand.u32 $0x7F, v14;
	v19 =	vadd.f32 v13, v9;
	(pc) =	sbr.rel @p0 .LBB2_7-.Ltmp2, $4  }
0xbb: {  	v20 =	vmul.f32 v20, v16;
	v16 =	vadd.s32 $0x7, v17;
	v14 =	vld.idx.msk [tilespmem:v21+s18+$0x0], $0xffff;
	v13 =	vor.u32 v6, v18  }
0xbc: {  	v16 =	vand.u32 $0x7F, v16;
	v9 =	vld.idx.msk [tilespmem:v23+s15+$0x0], $0xffff;
	v19 =	vadd.f32 v15, v19  }
0xbd: {  	v17 =	vadd.s32 $0x8, v17;
	v18 =	vmul.f32 v22, v11;
	v16 =	vor.u32 v6, v16;
	v15 =	vld.idx.msk [tilespmem:v23+s18+$0x0], $0xffff  }
0xbe: {  	v17 =	vand.u32 $0x7F, v17;
	v19 =	vadd.f32 v20, v19;
	v11 =	vld.idx.msk [tilespmem:v10+s15+$0x0], $0xffff  }
0xbf: {  	v6 =	vld [tilespmem:s12+$0x180];
	_ =	sdelay $0x4  }
0xc0: {  	v17 =	vand.u32 $0x7FFFFF, v6  }
0xc1: {  	v17 =	vor.u32 $0x3F800000, v17  }
0xc2: {  	v20 =	vmul.f32 $5.000000000e-01, v17  }
0xc3: {  	vm0 =	vgt.f32 v17, $1.414213540e+00  }
0xc4: {  	v17 =	vsel vm0, v20, v17  }
0xc5: {  	v20 =	vadd.f32 $1.000000000e+00, v17;
	_ =	sdelay $0x1  }
0xc6: {  	(erf) = vrcp.f32 v20;
	_ =	sdelay $0x7  }
0xc7: {  	v17 =	vadd.f32 $-1.000000000e+00, v17  }
0xc8: {  	v20 =	vpop (erf)  }
0xc9: {  	v17 =	vmul.f32 v20, v17;
	_ =	sdelay $0x1  }
0xca: {  	v20 =	vmul.f32 v17, v17;
	_ =	sdelay $0x1  }
0xcb: {  	v21 =	vmul.f32 $2.222222240e-01, v20;
	_ =	sdelay $0x1  }
0xcc: {  	v21 =	vadd.f32 $2.857142980e-01, v21;
	_ =	sdelay $0x1  }
0xcd: {  	v21 =	vmul.f32 v21, v20;
	_ =	sdelay $0x1  }
0xce: {  	v21 =	vadd.f32 $4.000000060e-01, v21;
	_ =	sdelay $0x1  }
0xcf: {  	v21 =	vmul.f32 v21, v20;
	_ =	sdelay $0x1  }
0xd0: {  	v21 =	vadd.f32 $6.666666860e-01, v21;
	_ =	sdelay $0x1  }
0xd1: {  	v6 =	vshrl.u32 v6, $0x17;
	v53 =	vsel vm0, $0xFFFFFF82, v0;
	v20 =	vmul.f32 v21, v20  }
0xd2: {  	v6 =	vadd.s32 v6, v53  }
0xd3: {  	v6 =	vcvt.s32.f32 v6;
	v20 =	vadd.f32 $2.000000000e+00, v20;
	_ =	sdelay $0x1  }
0xd4: {  	v6 =	vmul.f32 $6.931471820e-01, v6;
	v17 =	vmul.f32 v20, v17;
	_ =	sdelay $0x1  }
0xd5: {  	v6 =	vadd.f32 v17, v6;
	_ =	sdelay $0x1  }
0xd6: {  	v17 =	vadd.f32 $-4.605170250e+00, v6  }
0xd7: {  	v7 =	vmul.f32 v12, v7;
	v54 =	vadd.f32 v18, v19  }
0xd8: {  	v10 =	vld.idx.msk [tilespmem:v10+s18+$0x0], $0xffff;
	v17 =	vmul.f32 $7.500000000e-01, v17  }
0xd9: {  	v55 =	vld.idx.msk [tilespmem:v13+s15+$0x0], $0xffff;
	v8 =	vmul.f32 v14, v8;
	v7 =	vadd.f32 v7, v54  }
0xda: {  	v56 =	vld.idx.msk [tilespmem:v13+s18+$0x0], $0xffff;
	v57 =	vmul.f32 $1.442695020e+00, v17  }
0xdb: {  	v58 =	vld.idx.msk [tilespmem:v16+s15+$0x0], $0xffff;
	v9 =	vmul.f32 v15, v9;
	v7 =	vadd.f32 v8, v7  }
0xdc: {  	v59 =	vld.idx.msk [tilespmem:v16+s18+$0x0], $0xffff;
	(erf) = vpow2.f32 v57  }
0xdd: {  	v10 =	vmul.f32 v10, v11;
	v7 =	vadd.f32 v9, v7;
	_ =	sdelay $0x1  }
0xde: {  	v60 =	vmul.f32 v56, v55;
	v7 =	vadd.f32 v10, v7;
	_ =	sdelay $0x1  }
0xdf: {  	v8 =	vmul.f32 v59, v58;
	v7 =	vadd.f32 v60, v7;
	_ =	sdelay $0x1  }
0xe0: {  	v61 =	vld [tilespmem:s12+$0x200];
	v7 =	vadd.f32 v8, v7  }
0xe1: {  	v62 =	vld [tilespmem:s12+$0x280]  }
0xe2: {  	v6 =	vadd.f32 v6, v7;
	v63 =	vpop (erf)  }
0xe3: {  	v7 =	vmin.f32 v63, $1.000000000e+00  }
0xe4: {  	s2 =	sadd.s32 $0x1, s2;
	v10 =	vmul.f32 v7, v6  }
0xe5: {  	p0 =	sne.s32 s2, $0x8  }
.Ltmp3:
0xe6: {  	v8 =	vadd.f32 v62, v61;
	v6 =	vmul.f32 v10, v6;
	(pc) =	sbr.rel @p0 .LBB2_6-.Ltmp3, $4  }
0xe7: {  	_ = 	snop  }
0xe8: {  	v5 =	vadd.f32 v6, v5;
	v6 =	vmul.f32 v8, v8  }
0xe9: {  	v2 =	vadd.f32 v8, v2;
	v3 =	vadd.f32 v7, v3  }
0xea: {  	v4 =	vadd.f32 v10, v4;
	v1 =	vadd.f32 v6, v1  }
0xeb: {  	[tilespmem:$0x8300] =	vst v5  }
0xec: {  	[tilespmem:$0x8400] =	vst v3  }
0xed: {  	[tilespmem:$0x8480] =	vst v2;
	s0 =	sadd.s32 $0x1, s0  }
0xee: {  	[tilespmem:$0x8380] =	vst v4;
	p0 =	sne.s32 s0, s10  }
.Ltmp4:
0xef: {  	[tilespmem:$0x8500] =	vst v1;
	(pc) =	sbr.rel @p0 .LBB2_1-.Ltmp4, $4  }
0xf0: {  	[hbm4b:s9+s5] =	stream.linear.scatter [tilespmem:s30], [sflag:$0x8], $0x280, $0x38;
	[tilespmem:$0x8700] =	vst v63  }
0xf1: {  	_ =	swait.ge [sflag:s31], $0x280  }
0xf2: {  	[sflag:s31] =	ssyncset.done $0x0  }
0xf3: {  	[sflag:s31] =	ssyncadd.s32 $0xFFFFFD80  }
0xf4: {  	_ =	sfence.sel $0x180000  }
0xf5: {  	[bflag:$0x0] =	sbarrier.arrive $0xFFFF  }
0xf6: {  	_ =	strace $0x90000047  }
0xf7: {  	s0 =	stileid.u32;
	[bflag:$0x2] =	sbarrier.arrive $0xFFFF  }
0xf8: {  	p0 =	sne.s32 s0, $0x0;
	s0 =	rddreg [dreg:$0x6]  }
0xf9: {  	s0 =	sadd.s32 @!p0 $0x100000, s0  }
0xfa: {  	[sflag:s0] =	ssyncadd.tile.s32 @!p0 $0x1;
	_ =	shalt  }
.Lfunc_end2:
_tile_overlayer_lowered:
.L_overlay_start_2:
0xfb: {  	(tag) =	ssettag $0x2  }
0xfc: {  	s0 =	rddreg [dreg:$0x0];
	s2 =	stileid.u32  }
0xfd: {  	s1 =	rddreg [dreg:$0x1];
	p0 =	sne.s32 s2, $0x0  }
0xfe: {  	s3 =	rddreg [dreg:$0x2];
	[bflag:$0x3] =	sbarrier.arrive $0xFFFF;
	s2 =	simm.s32 @!p0 $0x1C08  }
0xff: {  	[timem:s3], [sflag:s2] =	dma.local @!p0 [hbm:s0], s1  }
0x100: {  	s0 =	simm.s32 @!p0 $0x8  }
0x101: {  	_ =	swait.ge @!p0 [sflag:s0], s1  }
0x102: {  	s1 =	ssub.s32 @!p0 $0x0, s1;
	[sflag:s0] =	ssyncset.done @!p0 $0x0  }
0x103: {  	[sflag:s0] =	ssyncadd.s32 @!p0 s1  }
0x104: {  	[bflag:$0x3] =	sbarrier.arrive $0xFFFF  }
0x105: {  	_ =	shalt  }

</sc_bundles>
